<compile_context>
chip_gen: v7x
topology: tpu7x:2x2x1
jax: 0.10.2.dev20260603
libtpu: 0.0.44.dev20260713+nightly
codegen_flags: <defaults>
</compile_context>

<pallas_src>
import jax
import jax.numpy as jnp
from jax import lax
from jax.experimental import pallas as pl
from jax.experimental.pallas import tpu as pltpu
from jax.experimental.pallas import tpu_sc as plsc

N_NODES = 10000
N_EDGES = 320000
D_FEAT = 128
DELTA_X = 0.1
SCALE = 1.0 / (DELTA_X * DELTA_X)

NS = 16
N_PAD = 10240
NPT = N_PAD // NS
NLAST = N_NODES - (NS - 1) * NPT
LANES = 16
ECHUNKS = N_EDGES // 128
CPW = ECHUNKS // NS
CH1 = CPW // 2
CREM = ECHUNKS - CPW * NS
UNROLL = 1


def _sc_body(x_hbm, ei_hbm, out_hbm,
             xcol_sh, xcol_v, gidx_v, gath_v, eiv, acc_v, tmpa_v, tmpb_v,
             racc_v, shared, sem, sem2, semb):
    sid = lax.axis_index("s")
    r0 = sid * NPT
    t0 = sid * CPW

    lanes = lax.iota(jnp.int32, LANES)
    for k in range(NPT // 128):
        for c in range(128 // LANES):
            j0 = k * 128 + c * LANES
            n = jnp.minimum(lanes + (r0 + j0), N_NODES - 1)
            gidx_v[k, pl.ds(c * LANES, LANES)] = n * D_FEAT
    gcps = [pltpu.async_copy(x_hbm.at[gidx_v.at[k]],
                             gath_v.at[pl.ds(k * 128, 128)], sem2)
            for k in range(NPT // 128)]

    cpe1 = pltpu.async_copy(ei_hbm.at[pl.ds(t0, CH1)], eiv.at[pl.ds(0, CH1)], sem)
    cpe2 = pltpu.async_copy(ei_hbm.at[pl.ds(t0 + CH1, CPW - CH1)],
                            eiv.at[pl.ds(CH1, CPW - CH1)], semb)

    @pl.when(sid < CREM)
    def _():
        pltpu.async_copy(ei_hbm.at[pl.ds(NS * CPW + sid, 1)],
                         eiv.at[pl.ds(CPW, 1)], sem).wait()

    zeros = jnp.zeros((LANES,), jnp.float32)

    def zero_body(i):
        acc_v[pl.ds(i * LANES, LANES)] = zeros
    plsc.parallel_loop(0, N_PAD // LANES, unroll=4)(zero_body)

    for cp in gcps:
        cp.wait()
    pltpu.sync_copy(gath_v, xcol_sh.at[pl.ds(r0, NPT)])
    plsc.subcore_barrier()
    bcast = pltpu.async_copy(xcol_sh, xcol_v, sem2)
    cpe1.wait()
    bcast.wait()

    def edge_chunk(t):
        for c in range(128 // LANES):
            s = eiv[t, 0, pl.ds(c * LANES, LANES)]
            d = eiv[t, 1, pl.ds(c * LANES, LANES)]
            vals = plsc.load_gather(xcol_v, [s])
            plsc.addupdate_scatter(acc_v, [d], vals)
    plsc.parallel_loop(0, CH1, unroll=UNROLL)(edge_chunk)
    cpe2.wait()
    plsc.parallel_loop(CH1, CPW, unroll=UNROLL)(edge_chunk)

    @pl.when(sid < CREM)
    def _():
        edge_chunk(CPW)

    pltpu.sync_copy(acc_v, shared.at[sid])
    plsc.subcore_barrier()

    pltpu.make_async_copy(shared.at[1, pl.ds(r0, NPT)], tmpa_v, sem2).start()
    pltpu.sync_copy(shared.at[0, pl.ds(r0, NPT)], racc_v)

    def racc_add(src_v):
        def add_body(j):
            jo = j * LANES
            racc_v[pl.ds(jo, LANES)] = racc_v[pl.ds(jo, LANES)] + src_v[pl.ds(jo, LANES)]
        plsc.parallel_loop(0, NPT // LANES, unroll=4)(add_body)

    def red_pair(u, _):
        t = 1 + 2 * u
        pltpu.make_async_copy(shared.at[t + 1, pl.ds(r0, NPT)], tmpb_v, semb).start()
        pltpu.make_async_copy(shared.at[t, pl.ds(r0, NPT)], tmpa_v, sem2).wait()
        racc_add(tmpa_v)
        pltpu.make_async_copy(shared.at[t + 2, pl.ds(r0, NPT)], tmpa_v, sem2).start()
        pltpu.make_async_copy(shared.at[t + 1, pl.ds(r0, NPT)], tmpb_v, semb).wait()
        racc_add(tmpb_v)
        return 0
    lax.fori_loop(0, (NS - 2) // 2, red_pair, 0)

    pltpu.make_async_copy(shared.at[NS - 1, pl.ds(r0, NPT)], tmpa_v, sem2).wait()
    racc_add(tmpa_v)

    def ep_body(j):
        jo = j * LANES
        racc_v[pl.ds(jo, LANES)] = (racc_v[pl.ds(jo, LANES)]
                                    - 2.0 * gath_v[pl.ds(jo, LANES)]) * SCALE
    plsc.parallel_loop(0, NPT // LANES, unroll=4)(ep_body)

    @pl.when(sid < NS - 1)
    def _():
        pltpu.sync_copy(racc_v, out_hbm.at[pl.ds(r0, NPT)])

    @pl.when(sid == NS - 1)
    def _():
        pltpu.sync_copy(racc_v.at[pl.ds(0, NLAST)],
                        out_hbm.at[pl.ds((NS - 1) * NPT, NLAST)])


@jax.jit
def _sc_scatter(x_flat, ei_blk):
    mesh = plsc.VectorSubcoreMesh(core_axis_name="c", subcore_axis_name="s",
                                  num_cores=1)
    return pl.kernel(
        _sc_body,
        out_type=jax.ShapeDtypeStruct((N_NODES,), jnp.float32),
        mesh=mesh,
        compiler_params=pltpu.CompilerParams(needs_layout_passes=False),
        scratch_types=[
            pltpu.VMEM_SHARED((N_PAD,), jnp.float32),
            pltpu.VMEM((N_PAD,), jnp.float32),
            pltpu.VMEM((NPT // 128, 128), jnp.int32),
            pltpu.VMEM((NPT,), jnp.float32),
            pltpu.VMEM((CPW + 1, 2, 128), jnp.int32),
            pltpu.VMEM((N_PAD,), jnp.float32),
            pltpu.VMEM((NPT,), jnp.float32),
            pltpu.VMEM((NPT,), jnp.float32),
            pltpu.VMEM((NPT,), jnp.float32),
            pltpu.VMEM_SHARED((NS, N_PAD), jnp.float32),
            pltpu.SemaphoreType.DMA,
            pltpu.SemaphoreType.DMA,
            pltpu.SemaphoreType.DMA,
        ],
    )(x_flat, ei_blk)


def kernel(x, edge_index, edge_attr):
    x_flat = x.reshape(-1)
    ei_blk = jnp.transpose(edge_index.reshape(2, ECHUNKS, 128), (1, 0, 2))
    return _sc_scatter(x_flat, ei_blk)

# --- scband reference (transcript-rebuilt; emitter-appended) ---
"""Pipeline reference for scband-spatial-second-derivative-operator-16939351015515 (READ-ONLY COPY).

The authoritative reference and input builder live on the scoring server;
editing this copy changes nothing except your own understanding.
"""

import jax, jax.numpy as jnp
import numpy as np

DELTA_X = 0.1
IDX_NODE = 0
IDX_EDGE = 0
N_NODES = 10000
N_EDGES = 320000
D_FEAT = 128
D_EDGE = 16


def setup_inputs(seed: int = 0) -> dict:
    key = jax.random.key(seed)
    k1, k2, k3 = jax.random.split(key, 3)
    x = jax.random.normal(k1, (N_NODES, D_FEAT), dtype=jnp.float32)
    edge_index = jax.random.randint(k2, (2, N_EDGES), 0, N_NODES, dtype=jnp.int32)
    edge_attr = jax.random.normal(k3, (N_EDGES, D_EDGE), dtype=jnp.float32)
    return {"x": x, "edge_index": edge_index, "edge_attr": edge_attr}


def reference(x, edge_index, edge_attr):
    # graph.x[:, index_derivative_node] -> 1D node scalar field
    nodes_input = x[:, IDX_NODE]
    # graph.edge_attr[:, index_derivative_edge] (computed in torch, unused by edge model)
    edges_input = edge_attr[:, IDX_EDGE]
    # MetaLayer edge model: EdgeSpatialSecondDerivative returns src = nodes_input[edge_index[0]]
    src = jnp.take(nodes_input, edge_index[0], axis=0)
    updated_edges = src
    # NodeSpatialSecondDerivative: scatter_sum over destination nodes (edge_index[1])
    sum_extrem = jax.ops.segment_sum(updated_edges, edge_index[1], num_segments=x.shape[0])
    derivative = (sum_extrem - 2.0 * nodes_input) / (DELTA_X ** 2)
    return derivative

if __name__ == "__main__":
    import jax
    _d = setup_inputs()
    print(jax.jit(kernel)(*tuple(_d.values())))

</pallas_src>

<mosaic_0001>
#map = affine_map<(d0, d1) -> (0)>
#map1 = affine_map<(d0, d1) -> (0, 0, 0)>
module attributes {stable_mosaic.version = 14 : i64} {
  func.func @_sc_body(%arg0: i32, %arg1: i32, %arg2: memref<1280000xf32, #tpu.memory_space<hbm>>, %arg3: memref<2500x2x128xi32, #tpu.memory_space<hbm>>, %arg4: memref<10000xf32, #tpu.memory_space<hbm>>, %arg5: memref<10240xf32, #tpu.memory_space<vmem_shared>>, %arg6: memref<10240xf32, #tpu.memory_space<vmem>>, %arg7: memref<5x128xi32, #tpu.memory_space<vmem>>, %arg8: memref<640xf32, #tpu.memory_space<vmem>>, %arg9: memref<157x2x128xi32, #tpu.memory_space<vmem>>, %arg10: memref<10240xf32, #tpu.memory_space<vmem>>, %arg11: memref<640xf32, #tpu.memory_space<vmem>>, %arg12: memref<640xf32, #tpu.memory_space<vmem>>, %arg13: memref<640xf32, #tpu.memory_space<vmem>>, %arg14: memref<16x10240xf32, #tpu.memory_space<vmem_shared>>, %arg15: memref<!tpu.dma_semaphore, #tpu.memory_space<semaphore_mem>>, %arg16: memref<!tpu.dma_semaphore, #tpu.memory_space<semaphore_mem>>, %arg17: memref<!tpu.dma_semaphore, #tpu.memory_space<semaphore_mem>>) attributes {dimension_semantics = [#tpu.dimension_semantics<core_parallel>, #tpu.dimension_semantics<subcore_parallel>], iteration_bounds = array<i64: 1, 16>, scalar_prefetch = 0 : i64, scratch_operands = 13 : i64, tpu.core_type = #tpu.core_type<sc_vector_subcore>, window_params = [{transform_indices = #map}, {transform_indices = #map1}, {transform_indices = #map}]} {
    %mul3A = arith.constant 640 : i32
    %mul3A_0 = arith.muli %arg1, %mul3A : i32
    %mul3A_1 = arith.constant 156 : i32
    %mul3A_2 = arith.muli %arg1, %mul3A_1 : i32
    %iota3A = tpu.iota {dimensions = array<i32: 0>} : vector<16xi32>
    %add3A = arith.constant 0 : i32
    %add3A_3 = arith.addi %mul3A_0, %add3A : i32
    %add3A_4 = vector.broadcast %add3A_3 : i32 to vector<16xi32>
    %add3A_5 = arith.addi %iota3A, %add3A_4 : vector<16xi32>
    %min3A = arith.constant 9999 : i32
    %min3A_6 = vector.broadcast %min3A : i32 to vector<16xi32>
    %min3A_7 = arith.minsi %add3A_5, %min3A_6 : vector<16xi32>
    %mul3A_8 = arith.constant 128 : i32
    %mul3A_9 = vector.broadcast %mul3A_8 : i32 to vector<16xi32>
    %mul3A_10 = arith.muli %min3A_7, %mul3A_9 : vector<16xi32>
    %swap3A = arith.constant 0 : i32
    %swap3A_11 = arith.index_cast %swap3A : i32 to index
    %swap3A_12 = arith.constant 0 : index
    %swap3A_13 = tpu.vector_load %arg7[%swap3A_11, %swap3A_12] {strides = array<i32>} : memref<5x128xi32, #tpu.memory_space<vmem>>, vector<16xi32>,
    tpu.vector_store %arg7[%swap3A_11, %swap3A_12], %mul3A_10 {strides = array<i32>} : memref<5x128xi32, #tpu.memory_space<vmem>>, vector<16xi32>,
    %add3A_14 = arith.constant 16 : i32
    %add3A_15 = arith.addi %mul3A_0, %add3A_14 : i32
    %add3A_16 = vector.broadcast %add3A_15 : i32 to vector<16xi32>
    %add3A_17 = arith.addi %iota3A, %add3A_16 : vector<16xi32>
    %min3A_18 = arith.constant 9999 : i32
    %min3A_19 = vector.broadcast %min3A_18 : i32 to vector<16xi32>
    %min3A_20 = arith.minsi %add3A_17, %min3A_19 : vector<16xi32>
    %mul3A_21 = arith.constant 128 : i32
    %mul3A_22 = vector.broadcast %mul3A_21 : i32 to vector<16xi32>
    %mul3A_23 = arith.muli %min3A_20, %mul3A_22 : vector<16xi32>
    %swap3A_24 = arith.constant 0 : i32
    %swap3A_25 = arith.index_cast %swap3A_24 : i32 to index
    %swap3A_26 = arith.constant 16 : index
    %swap3A_27 = tpu.vector_load %arg7[%swap3A_25, %swap3A_26] {strides = array<i32>} : memref<5x128xi32, #tpu.memory_space<vmem>>, vector<16xi32>,
    tpu.vector_store %arg7[%swap3A_25, %swap3A_26], %mul3A_23 {strides = array<i32>} : memref<5x128xi32, #tpu.memory_space<vmem>>, vector<16xi32>,
    %add3A_28 = arith.constant 32 : i32
    %add3A_29 = arith.addi %mul3A_0, %add3A_28 : i32
    %add3A_30 = vector.broadcast %add3A_29 : i32 to vector<16xi32>
    %add3A_31 = arith.addi %iota3A, %add3A_30 : vector<16xi32>
    %min3A_32 = arith.constant 9999 : i32
    %min3A_33 = vector.broadcast %min3A_32 : i32 to vector<16xi32>
    %min3A_34 = arith.minsi %add3A_31, %min3A_33 : vector<16xi32>
    %mul3A_35 = arith.constant 128 : i32
    %mul3A_36 = vector.broadcast %mul3A_35 : i32 to vector<16xi32>
    %mul3A_37 = arith.muli %min3A_34, %mul3A_36 : vector<16xi32>
    %swap3A_38 = arith.constant 0 : i32
    %swap3A_39 = arith.index_cast %swap3A_38 : i32 to index
    %swap3A_40 = arith.constant 32 : index
    %swap3A_41 = tpu.vector_load %arg7[%swap3A_39, %swap3A_40] {strides = array<i32>} : memref<5x128xi32, #tpu.memory_space<vmem>>, vector<16xi32>,
    tpu.vector_store %arg7[%swap3A_39, %swap3A_40], %mul3A_37 {strides = array<i32>} : memref<5x128xi32, #tpu.memory_space<vmem>>, vector<16xi32>,
    %add3A_42 = arith.constant 48 : i32
    %add3A_43 = arith.addi %mul3A_0, %add3A_42 : i32
    %add3A_44 = vector.broadcast %add3A_43 : i32 to vector<16xi32>
    %add3A_45 = arith.addi %iota3A, %add3A_44 : vector<16xi32>
    %min3A_46 = arith.constant 9999 : i32
    %min3A_47 = vector.broadcast %min3A_46 : i32 to vector<16xi32>
    %min3A_48 = arith.minsi %add3A_45, %min3A_47 : vector<16xi32>
    %mul3A_49 = arith.constant 128 : i32
    %mul3A_50 = vector.broadcast %mul3A_49 : i32 to vector<16xi32>
    %mul3A_51 = arith.muli %min3A_48, %mul3A_50 : vector<16xi32>
    %swap3A_52 = arith.constant 0 : i32
    %swap3A_53 = arith.index_cast %swap3A_52 : i32 to index
    %swap3A_54 = arith.constant 48 : index
    %swap3A_55 = tpu.vector_load %arg7[%swap3A_53, %swap3A_54] {strides = array<i32>} : memref<5x128xi32, #tpu.memory_space<vmem>>, vector<16xi32>,
    tpu.vector_store %arg7[%swap3A_53, %swap3A_54], %mul3A_51 {strides = array<i32>} : memref<5x128xi32, #tpu.memory_space<vmem>>, vector<16xi32>,
    %add3A_56 = arith.constant 64 : i32
    %add3A_57 = arith.addi %mul3A_0, %add3A_56 : i32
    %add3A_58 = vector.broadcast %add3A_57 : i32 to vector<16xi32>
    %add3A_59 = arith.addi %iota3A, %add3A_58 : vector<16xi32>
    %min3A_60 = arith.constant 9999 : i32
    %min3A_61 = vector.broadcast %min3A_60 : i32 to vector<16xi32>
    %min3A_62 = arith.minsi %add3A_59, %min3A_61 : vector<16xi32>
    %mul3A_63 = arith.constant 128 : i32
    %mul3A_64 = vector.broadcast %mul3A_63 : i32 to vector<16xi32>
    %mul3A_65 = arith.muli %min3A_62, %mul3A_64 : vector<16xi32>
    %swap3A_66 = arith.constant 0 : i32
    %swap3A_67 = arith.index_cast %swap3A_66 : i32 to index
    %swap3A_68 = arith.constant 64 : index
    %swap3A_69 = tpu.vector_load %arg7[%swap3A_67, %swap3A_68] {strides = array<i32>} : memref<5x128xi32, #tpu.memory_space<vmem>>, vector<16xi32>,
    tpu.vector_store %arg7[%swap3A_67, %swap3A_68], %mul3A_65 {strides = array<i32>} : memref<5x128xi32, #tpu.memory_space<vmem>>, vector<16xi32>,
    %add3A_70 = arith.constant 80 : i32
    %add3A_71 = arith.addi %mul3A_0, %add3A_70 : i32
    %add3A_72 = vector.broadcast %add3A_71 : i32 to vector<16xi32>
    %add3A_73 = arith.addi %iota3A, %add3A_72 : vector<16xi32>
    %min3A_74 = arith.constant 9999 : i32
    %min3A_75 = vector.broadcast %min3A_74 : i32 to vector<16xi32>
    %min3A_76 = arith.minsi %add3A_73, %min3A_75 : vector<16xi32>
    %mul3A_77 = arith.constant 128 : i32
    %mul3A_78 = vector.broadcast %mul3A_77 : i32 to vector<16xi32>
    %mul3A_79 = arith.muli %min3A_76, %mul3A_78 : vector<16xi32>
    %swap3A_80 = arith.constant 0 : i32
    %swap3A_81 = arith.index_cast %swap3A_80 : i32 to index
    %swap3A_82 = arith.constant 80 : index
    %swap3A_83 = tpu.vector_load %arg7[%swap3A_81, %swap3A_82] {strides = array<i32>} : memref<5x128xi32, #tpu.memory_space<vmem>>, vector<16xi32>,
    tpu.vector_store %arg7[%swap3A_81, %swap3A_82], %mul3A_79 {strides = array<i32>} : memref<5x128xi32, #tpu.memory_space<vmem>>, vector<16xi32>,
    %add3A_84 = arith.constant 96 : i32
    %add3A_85 = arith.addi %mul3A_0, %add3A_84 : i32
    %add3A_86 = vector.broadcast %add3A_85 : i32 to vector<16xi32>
    %add3A_87 = arith.addi %iota3A, %add3A_86 : vector<16xi32>
    %min3A_88 = arith.constant 9999 : i32
    %min3A_89 = vector.broadcast %min3A_88 : i32 to vector<16xi32>
    %min3A_90 = arith.minsi %add3A_87, %min3A_89 : vector<16xi32>
    %mul3A_91 = arith.constant 128 : i32
    %mul3A_92 = vector.broadcast %mul3A_91 : i32 to vector<16xi32>
    %mul3A_93 = arith.muli %min3A_90, %mul3A_92 : vector<16xi32>
    %swap3A_94 = arith.constant 0 : i32
    %swap3A_95 = arith.index_cast %swap3A_94 : i32 to index
    %swap3A_96 = arith.constant 96 : index
    %swap3A_97 = tpu.vector_load %arg7[%swap3A_95, %swap3A_96] {strides = array<i32>} : memref<5x128xi32, #tpu.memory_space<vmem>>, vector<16xi32>,
    tpu.vector_store %arg7[%swap3A_95, %swap3A_96], %mul3A_93 {strides = array<i32>} : memref<5x128xi32, #tpu.memory_space<vmem>>, vector<16xi32>,
    %add3A_98 = arith.constant 112 : i32
    %add3A_99 = arith.addi %mul3A_0, %add3A_98 : i32
    %add3A_100 = vector.broadcast %add3A_99 : i32 to vector<16xi32>
    %add3A_101 = arith.addi %iota3A, %add3A_100 : vector<16xi32>
    %min3A_102 = arith.constant 9999 : i32
    %min3A_103 = vector.broadcast %min3A_102 : i32 to vector<16xi32>
    %min3A_104 = arith.minsi %add3A_101, %min3A_103 : vector<16xi32>
    %mul3A_105 = arith.constant 128 : i32
    %mul3A_106 = vector.broadcast %mul3A_105 : i32 to vector<16xi32>
    %mul3A_107 = arith.muli %min3A_104, %mul3A_106 : vector<16xi32>
    %swap3A_108 = arith.constant 0 : i32
    %swap3A_109 = arith.index_cast %swap3A_108 : i32 to index
    %swap3A_110 = arith.constant 112 : index
    %swap3A_111 = tpu.vector_load %arg7[%swap3A_109, %swap3A_110] {strides = array<i32>} : memref<5x128xi32, #tpu.memory_space<vmem>>, vector<16xi32>,
    tpu.vector_store %arg7[%swap3A_109, %swap3A_110], %mul3A_107 {strides = array<i32>} : memref<5x128xi32, #tpu.memory_space<vmem>>, vector<16xi32>,
    %add3A_112 = arith.constant 128 : i32
    %add3A_113 = arith.addi %mul3A_0, %add3A_112 : i32
    %add3A_114 = vector.broadcast %add3A_113 : i32 to vector<16xi32>
    %add3A_115 = arith.addi %iota3A, %add3A_114 : vector<16xi32>
    %min3A_116 = arith.constant 9999 : i32
    %min3A_117 = vector.broadcast %min3A_116 : i32 to vector<16xi32>
    %min3A_118 = arith.minsi %add3A_115, %min3A_117 : vector<16xi32>
    %mul3A_119 = arith.constant 128 : i32
    %mul3A_120 = vector.broadcast %mul3A_119 : i32 to vector<16xi32>
    %mul3A_121 = arith.muli %min3A_118, %mul3A_120 : vector<16xi32>
    %swap3A_122 = arith.constant 1 : i32
    %swap3A_123 = arith.index_cast %swap3A_122 : i32 to index
    %swap3A_124 = arith.constant 0 : index
    %swap3A_125 = tpu.vector_load %arg7[%swap3A_123, %swap3A_124] {strides = array<i32>} : memref<5x128xi32, #tpu.memory_space<vmem>>, vector<16xi32>,
    tpu.vector_store %arg7[%swap3A_123, %swap3A_124], %mul3A_121 {strides = array<i32>} : memref<5x128xi32, #tpu.memory_space<vmem>>, vector<16xi32>,
    %add3A_126 = arith.constant 144 : i32
    %add3A_127 = arith.addi %mul3A_0, %add3A_126 : i32
    %add3A_128 = vector.broadcast %add3A_127 : i32 to vector<16xi32>
    %add3A_129 = arith.addi %iota3A, %add3A_128 : vector<16xi32>
    %min3A_130 = arith.constant 9999 : i32
    %min3A_131 = vector.broadcast %min3A_130 : i32 to vector<16xi32>
    %min3A_132 = arith.minsi %add3A_129, %min3A_131 : vector<16xi32>
    %mul3A_133 = arith.constant 128 : i32
    %mul3A_134 = vector.broadcast %mul3A_133 : i32 to vector<16xi32>
    %mul3A_135 = arith.muli %min3A_132, %mul3A_134 : vector<16xi32>
    %swap3A_136 = arith.constant 1 : i32
    %swap3A_137 = arith.index_cast %swap3A_136 : i32 to index
    %swap3A_138 = arith.constant 16 : index
    %swap3A_139 = tpu.vector_load %arg7[%swap3A_137, %swap3A_138] {strides = array<i32>} : memref<5x128xi32, #tpu.memory_space<vmem>>, vector<16xi32>,
    tpu.vector_store %arg7[%swap3A_137, %swap3A_138], %mul3A_135 {strides = array<i32>} : memref<5x128xi32, #tpu.memory_space<vmem>>, vector<16xi32>,
    %add3A_140 = arith.constant 160 : i32
    %add3A_141 = arith.addi %mul3A_0, %add3A_140 : i32
    %add3A_142 = vector.broadcast %add3A_141 : i32 to vector<16xi32>
    %add3A_143 = arith.addi %iota3A, %add3A_142 : vector<16xi32>
    %min3A_144 = arith.constant 9999 : i32
    %min3A_145 = vector.broadcast %min3A_144 : i32 to vector<16xi32>
    %min3A_146 = arith.minsi %add3A_143, %min3A_145 : vector<16xi32>
    %mul3A_147 = arith.constant 128 : i32
    %mul3A_148 = vector.broadcast %mul3A_147 : i32 to vector<16xi32>
    %mul3A_149 = arith.muli %min3A_146, %mul3A_148 : vector<16xi32>
    %swap3A_150 = arith.constant 1 : i32
    %swap3A_151 = arith.index_cast %swap3A_150 : i32 to index
    %swap3A_152 = arith.constant 32 : index
    %swap3A_153 = tpu.vector_load %arg7[%swap3A_151, %swap3A_152] {strides = array<i32>} : memref<5x128xi32, #tpu.memory_space<vmem>>, vector<16xi32>,
    tpu.vector_store %arg7[%swap3A_151, %swap3A_152], %mul3A_149 {strides = array<i32>} : memref<5x128xi32, #tpu.memory_space<vmem>>, vector<16xi32>,
    %add3A_154 = arith.constant 176 : i32
    %add3A_155 = arith.addi %mul3A_0, %add3A_154 : i32
    %add3A_156 = vector.broadcast %add3A_155 : i32 to vector<16xi32>
    %add3A_157 = arith.addi %iota3A, %add3A_156 : vector<16xi32>
    %min3A_158 = arith.constant 9999 : i32
    %min3A_159 = vector.broadcast %min3A_158 : i32 to vector<16xi32>
    %min3A_160 = arith.minsi %add3A_157, %min3A_159 : vector<16xi32>
    %mul3A_161 = arith.constant 128 : i32
    %mul3A_162 = vector.broadcast %mul3A_161 : i32 to vector<16xi32>
    %mul3A_163 = arith.muli %min3A_160, %mul3A_162 : vector<16xi32>
    %swap3A_164 = arith.constant 1 : i32
    %swap3A_165 = arith.index_cast %swap3A_164 : i32 to index
    %swap3A_166 = arith.constant 48 : index
    %swap3A_167 = tpu.vector_load %arg7[%swap3A_165, %swap3A_166] {strides = array<i32>} : memref<5x128xi32, #tpu.memory_space<vmem>>, vector<16xi32>,
    tpu.vector_store %arg7[%swap3A_165, %swap3A_166], %mul3A_163 {strides = array<i32>} : memref<5x128xi32, #tpu.memory_space<vmem>>, vector<16xi32>,
    %add3A_168 = arith.constant 192 : i32
    %add3A_169 = arith.addi %mul3A_0, %add3A_168 : i32
    %add3A_170 = vector.broadcast %add3A_169 : i32 to vector<16xi32>
    %add3A_171 = arith.addi %iota3A, %add3A_170 : vector<16xi32>
    %min3A_172 = arith.constant 9999 : i32
    %min3A_173 = vector.broadcast %min3A_172 : i32 to vector<16xi32>
    %min3A_174 = arith.minsi %add3A_171, %min3A_173 : vector<16xi32>
    %mul3A_175 = arith.constant 128 : i32
    %mul3A_176 = vector.broadcast %mul3A_175 : i32 to vector<16xi32>
    %mul3A_177 = arith.muli %min3A_174, %mul3A_176 : vector<16xi32>
    %swap3A_178 = arith.constant 1 : i32
    %swap3A_179 = arith.index_cast %swap3A_178 : i32 to index
    %swap3A_180 = arith.constant 64 : index
    %swap3A_181 = tpu.vector_load %arg7[%swap3A_179, %swap3A_180] {strides = array<i32>} : memref<5x128xi32, #tpu.memory_space<vmem>>, vector<16xi32>,
    tpu.vector_store %arg7[%swap3A_179, %swap3A_180], %mul3A_177 {strides = array<i32>} : memref<5x128xi32, #tpu.memory_space<vmem>>, vector<16xi32>,
    %add3A_182 = arith.constant 208 : i32
    %add3A_183 = arith.addi %mul3A_0, %add3A_182 : i32
    %add3A_184 = vector.broadcast %add3A_183 : i32 to vector<16xi32>
    %add3A_185 = arith.addi %iota3A, %add3A_184 : vector<16xi32>
    %min3A_186 = arith.constant 9999 : i32
    %min3A_187 = vector.broadcast %min3A_186 : i32 to vector<16xi32>
    %min3A_188 = arith.minsi %add3A_185, %min3A_187 : vector<16xi32>
    %mul3A_189 = arith.constant 128 : i32
    %mul3A_190 = vector.broadcast %mul3A_189 : i32 to vector<16xi32>
    %mul3A_191 = arith.muli %min3A_188, %mul3A_190 : vector<16xi32>
    %swap3A_192 = arith.constant 1 : i32
    %swap3A_193 = arith.index_cast %swap3A_192 : i32 to index
    %swap3A_194 = arith.constant 80 : index
    %swap3A_195 = tpu.vector_load %arg7[%swap3A_193, %swap3A_194] {strides = array<i32>} : memref<5x128xi32, #tpu.memory_space<vmem>>, vector<16xi32>,
    tpu.vector_store %arg7[%swap3A_193, %swap3A_194], %mul3A_191 {strides = array<i32>} : memref<5x128xi32, #tpu.memory_space<vmem>>, vector<16xi32>,
    %add3A_196 = arith.constant 224 : i32
    %add3A_197 = arith.addi %mul3A_0, %add3A_196 : i32
    %add3A_198 = vector.broadcast %add3A_197 : i32 to vector<16xi32>
    %add3A_199 = arith.addi %iota3A, %add3A_198 : vector<16xi32>
    %min3A_200 = arith.constant 9999 : i32
    %min3A_201 = vector.broadcast %min3A_200 : i32 to vector<16xi32>
    %min3A_202 = arith.minsi %add3A_199, %min3A_201 : vector<16xi32>
    %mul3A_203 = arith.constant 128 : i32
    %mul3A_204 = vector.broadcast %mul3A_203 : i32 to vector<16xi32>
    %mul3A_205 = arith.muli %min3A_202, %mul3A_204 : vector<16xi32>
    %swap3A_206 = arith.constant 1 : i32
    %swap3A_207 = arith.index_cast %swap3A_206 : i32 to index
    %swap3A_208 = arith.constant 96 : index
    %swap3A_209 = tpu.vector_load %arg7[%swap3A_207, %swap3A_208] {strides = array<i32>} : memref<5x128xi32, #tpu.memory_space<vmem>>, vector<16xi32>,
    tpu.vector_store %arg7[%swap3A_207, %swap3A_208], %mul3A_205 {strides = array<i32>} : memref<5x128xi32, #tpu.memory_space<vmem>>, vector<16xi32>,
    %add3A_210 = arith.constant 240 : i32
    %add3A_211 = arith.addi %mul3A_0, %add3A_210 : i32
    %add3A_212 = vector.broadcast %add3A_211 : i32 to vector<16xi32>
    %add3A_213 = arith.addi %iota3A, %add3A_212 : vector<16xi32>
    %min3A_214 = arith.constant 9999 : i32
    %min3A_215 = vector.broadcast %min3A_214 : i32 to vector<16xi32>
    %min3A_216 = arith.minsi %add3A_213, %min3A_215 : vector<16xi32>
    %mul3A_217 = arith.constant 128 : i32
    %mul3A_218 = vector.broadcast %mul3A_217 : i32 to vector<16xi32>
    %mul3A_219 = arith.muli %min3A_216, %mul3A_218 : vector<16xi32>
    %swap3A_220 = arith.constant 1 : i32
    %swap3A_221 = arith.index_cast %swap3A_220 : i32 to index
    %swap3A_222 = arith.constant 112 : index
    %swap3A_223 = tpu.vector_load %arg7[%swap3A_221, %swap3A_222] {strides = array<i32>} : memref<5x128xi32, #tpu.memory_space<vmem>>, vector<16xi32>,
    tpu.vector_store %arg7[%swap3A_221, %swap3A_222], %mul3A_219 {strides = array<i32>} : memref<5x128xi32, #tpu.memory_space<vmem>>, vector<16xi32>,
    %add3A_224 = arith.constant 256 : i32
    %add3A_225 = arith.addi %mul3A_0, %add3A_224 : i32
    %add3A_226 = vector.broadcast %add3A_225 : i32 to vector<16xi32>
    %add3A_227 = arith.addi %iota3A, %add3A_226 : vector<16xi32>
    %min3A_228 = arith.constant 9999 : i32
    %min3A_229 = vector.broadcast %min3A_228 : i32 to vector<16xi32>
    %min3A_230 = arith.minsi %add3A_227, %min3A_229 : vector<16xi32>
    %mul3A_231 = arith.constant 128 : i32
    %mul3A_232 = vector.broadcast %mul3A_231 : i32 to vector<16xi32>
    %mul3A_233 = arith.muli %min3A_230, %mul3A_232 : vector<16xi32>
    %swap3A_234 = arith.constant 2 : i32
    %swap3A_235 = arith.index_cast %swap3A_234 : i32 to index
    %swap3A_236 = arith.constant 0 : index
    %swap3A_237 = tpu.vector_load %arg7[%swap3A_235, %swap3A_236] {strides = array<i32>} : memref<5x128xi32, #tpu.memory_space<vmem>>, vector<16xi32>,
    tpu.vector_store %arg7[%swap3A_235, %swap3A_236], %mul3A_233 {strides = array<i32>} : memref<5x128xi32, #tpu.memory_space<vmem>>, vector<16xi32>,
    %add3A_238 = arith.constant 272 : i32
    %add3A_239 = arith.addi %mul3A_0, %add3A_238 : i32
    %add3A_240 = vector.broadcast %add3A_239 : i32 to vector<16xi32>
    %add3A_241 = arith.addi %iota3A, %add3A_240 : vector<16xi32>
    %min3A_242 = arith.constant 9999 : i32
    %min3A_243 = vector.broadcast %min3A_242 : i32 to vector<16xi32>
    %min3A_244 = arith.minsi %add3A_241, %min3A_243 : vector<16xi32>
    %mul3A_245 = arith.constant 128 : i32
    %mul3A_246 = vector.broadcast %mul3A_245 : i32 to vector<16xi32>
    %mul3A_247 = arith.muli %min3A_244, %mul3A_246 : vector<16xi32>
    %swap3A_248 = arith.constant 2 : i32
    %swap3A_249 = arith.index_cast %swap3A_248 : i32 to index
    %swap3A_250 = arith.constant 16 : index
    %swap3A_251 = tpu.vector_load %arg7[%swap3A_249, %swap3A_250] {strides = array<i32>} : memref<5x128xi32, #tpu.memory_space<vmem>>, vector<16xi32>,
    tpu.vector_store %arg7[%swap3A_249, %swap3A_250], %mul3A_247 {strides = array<i32>} : memref<5x128xi32, #tpu.memory_space<vmem>>, vector<16xi32>,
    %add3A_252 = arith.constant 288 : i32
    %add3A_253 = arith.addi %mul3A_0, %add3A_252 : i32
    %add3A_254 = vector.broadcast %add3A_253 : i32 to vector<16xi32>
    %add3A_255 = arith.addi %iota3A, %add3A_254 : vector<16xi32>
    %min3A_256 = arith.constant 9999 : i32
    %min3A_257 = vector.broadcast %min3A_256 : i32 to vector<16xi32>
    %min3A_258 = arith.minsi %add3A_255, %min3A_257 : vector<16xi32>
    %mul3A_259 = arith.constant 128 : i32
    %mul3A_260 = vector.broadcast %mul3A_259 : i32 to vector<16xi32>
    %mul3A_261 = arith.muli %min3A_258, %mul3A_260 : vector<16xi32>
    %swap3A_262 = arith.constant 2 : i32
    %swap3A_263 = arith.index_cast %swap3A_262 : i32 to index
    %swap3A_264 = arith.constant 32 : index
    %swap3A_265 = tpu.vector_load %arg7[%swap3A_263, %swap3A_264] {strides = array<i32>} : memref<5x128xi32, #tpu.memory_space<vmem>>, vector<16xi32>,
    tpu.vector_store %arg7[%swap3A_263, %swap3A_264], %mul3A_261 {strides = array<i32>} : memref<5x128xi32, #tpu.memory_space<vmem>>, vector<16xi32>,
    %add3A_266 = arith.constant 304 : i32
    %add3A_267 = arith.addi %mul3A_0, %add3A_266 : i32
    %add3A_268 = vector.broadcast %add3A_267 : i32 to vector<16xi32>
    %add3A_269 = arith.addi %iota3A, %add3A_268 : vector<16xi32>
    %min3A_270 = arith.constant 9999 : i32
    %min3A_271 = vector.broadcast %min3A_270 : i32 to vector<16xi32>
    %min3A_272 = arith.minsi %add3A_269, %min3A_271 : vector<16xi32>
    %mul3A_273 = arith.constant 128 : i32
    %mul3A_274 = vector.broadcast %mul3A_273 : i32 to vector<16xi32>
    %mul3A_275 = arith.muli %min3A_272, %mul3A_274 : vector<16xi32>
    %swap3A_276 = arith.constant 2 : i32
    %swap3A_277 = arith.index_cast %swap3A_276 : i32 to index
    %swap3A_278 = arith.constant 48 : index
    %swap3A_279 = tpu.vector_load %arg7[%swap3A_277, %swap3A_278] {strides = array<i32>} : memref<5x128xi32, #tpu.memory_space<vmem>>, vector<16xi32>,
    tpu.vector_store %arg7[%swap3A_277, %swap3A_278], %mul3A_275 {strides = array<i32>} : memref<5x128xi32, #tpu.memory_space<vmem>>, vector<16xi32>,
    %add3A_280 = arith.constant 320 : i32
    %add3A_281 = arith.addi %mul3A_0, %add3A_280 : i32
    %add3A_282 = vector.broadcast %add3A_281 : i32 to vector<16xi32>
    %add3A_283 = arith.addi %iota3A, %add3A_282 : vector<16xi32>
    %min3A_284 = arith.constant 9999 : i32
    %min3A_285 = vector.broadcast %min3A_284 : i32 to vector<16xi32>
    %min3A_286 = arith.minsi %add3A_283, %min3A_285 : vector<16xi32>
    %mul3A_287 = arith.constant 128 : i32
    %mul3A_288 = vector.broadcast %mul3A_287 : i32 to vector<16xi32>
    %mul3A_289 = arith.muli %min3A_286, %mul3A_288 : vector<16xi32>
    %swap3A_290 = arith.constant 2 : i32
    %swap3A_291 = arith.index_cast %swap3A_290 : i32 to index
    %swap3A_292 = arith.constant 64 : index
    %swap3A_293 = tpu.vector_load %arg7[%swap3A_291, %swap3A_292] {strides = array<i32>} : memref<5x128xi32, #tpu.memory_space<vmem>>, vector<16xi32>,
    tpu.vector_store %arg7[%swap3A_291, %swap3A_292], %mul3A_289 {strides = array<i32>} : memref<5x128xi32, #tpu.memory_space<vmem>>, vector<16xi32>,
    %add3A_294 = arith.constant 336 : i32
    %add3A_295 = arith.addi %mul3A_0, %add3A_294 : i32
    %add3A_296 = vector.broadcast %add3A_295 : i32 to vector<16xi32>
    %add3A_297 = arith.addi %iota3A, %add3A_296 : vector<16xi32>
    %min3A_298 = arith.constant 9999 : i32
    %min3A_299 = vector.broadcast %min3A_298 : i32 to vector<16xi32>
    %min3A_300 = arith.minsi %add3A_297, %min3A_299 : vector<16xi32>
    %mul3A_301 = arith.constant 128 : i32
    %mul3A_302 = vector.broadcast %mul3A_301 : i32 to vector<16xi32>
    %mul3A_303 = arith.muli %min3A_300, %mul3A_302 : vector<16xi32>
    %swap3A_304 = arith.constant 2 : i32
    %swap3A_305 = arith.index_cast %swap3A_304 : i32 to index
    %swap3A_306 = arith.constant 80 : index
    %swap3A_307 = tpu.vector_load %arg7[%swap3A_305, %swap3A_306] {strides = array<i32>} : memref<5x128xi32, #tpu.memory_space<vmem>>, vector<16xi32>,
    tpu.vector_store %arg7[%swap3A_305, %swap3A_306], %mul3A_303 {strides = array<i32>} : memref<5x128xi32, #tpu.memory_space<vmem>>, vector<16xi32>,
    %add3A_308 = arith.constant 352 : i32
    %add3A_309 = arith.addi %mul3A_0, %add3A_308 : i32
    %add3A_310 = vector.broadcast %add3A_309 : i32 to vector<16xi32>
    %add3A_311 = arith.addi %iota3A, %add3A_310 : vector<16xi32>
    %min3A_312 = arith.constant 9999 : i32
    %min3A_313 = vector.broadcast %min3A_312 : i32 to vector<16xi32>
    %min3A_314 = arith.minsi %add3A_311, %min3A_313 : vector<16xi32>
    %mul3A_315 = arith.constant 128 : i32
    %mul3A_316 = vector.broadcast %mul3A_315 : i32 to vector<16xi32>
    %mul3A_317 = arith.muli %min3A_314, %mul3A_316 : vector<16xi32>
    %swap3A_318 = arith.constant 2 : i32
    %swap3A_319 = arith.index_cast %swap3A_318 : i32 to index
    %swap3A_320 = arith.constant 96 : index
    %swap3A_321 = tpu.vector_load %arg7[%swap3A_319, %swap3A_320] {strides = array<i32>} : memref<5x128xi32, #tpu.memory_space<vmem>>, vector<16xi32>,
    tpu.vector_store %arg7[%swap3A_319, %swap3A_320], %mul3A_317 {strides = array<i32>} : memref<5x128xi32, #tpu.memory_space<vmem>>, vector<16xi32>,
    %add3A_322 = arith.constant 368 : i32
    %add3A_323 = arith.addi %mul3A_0, %add3A_322 : i32
    %add3A_324 = vector.broadcast %add3A_323 : i32 to vector<16xi32>
    %add3A_325 = arith.addi %iota3A, %add3A_324 : vector<16xi32>
    %min3A_326 = arith.constant 9999 : i32
    %min3A_327 = vector.broadcast %min3A_326 : i32 to vector<16xi32>
    %min3A_328 = arith.minsi %add3A_325, %min3A_327 : vector<16xi32>
    %mul3A_329 = arith.constant 128 : i32
    %mul3A_330 = vector.broadcast %mul3A_329 : i32 to vector<16xi32>
    %mul3A_331 = arith.muli %min3A_328, %mul3A_330 : vector<16xi32>
    %swap3A_332 = arith.constant 2 : i32
    %swap3A_333 = arith.index_cast %swap3A_332 : i32 to index
    %swap3A_334 = arith.constant 112 : index
    %swap3A_335 = tpu.vector_load %arg7[%swap3A_333, %swap3A_334] {strides = array<i32>} : memref<5x128xi32, #tpu.memory_space<vmem>>, vector<16xi32>,
    tpu.vector_store %arg7[%swap3A_333, %swap3A_334], %mul3A_331 {strides = array<i32>} : memref<5x128xi32, #tpu.memory_space<vmem>>, vector<16xi32>,
    %add3A_336 = arith.constant 384 : i32
    %add3A_337 = arith.addi %mul3A_0, %add3A_336 : i32
    %add3A_338 = vector.broadcast %add3A_337 : i32 to vector<16xi32>
    %add3A_339 = arith.addi %iota3A, %add3A_338 : vector<16xi32>
    %min3A_340 = arith.constant 9999 : i32
    %min3A_341 = vector.broadcast %min3A_340 : i32 to vector<16xi32>
    %min3A_342 = arith.minsi %add3A_339, %min3A_341 : vector<16xi32>
    %mul3A_343 = arith.constant 128 : i32
    %mul3A_344 = vector.broadcast %mul3A_343 : i32 to vector<16xi32>
    %mul3A_345 = arith.muli %min3A_342, %mul3A_344 : vector<16xi32>
    %swap3A_346 = arith.constant 3 : i32
    %swap3A_347 = arith.index_cast %swap3A_346 : i32 to index
    %swap3A_348 = arith.constant 0 : index
    %swap3A_349 = tpu.vector_load %arg7[%swap3A_347, %swap3A_348] {strides = array<i32>} : memref<5x128xi32, #tpu.memory_space<vmem>>, vector<16xi32>,
    tpu.vector_store %arg7[%swap3A_347, %swap3A_348], %mul3A_345 {strides = array<i32>} : memref<5x128xi32, #tpu.memory_space<vmem>>, vector<16xi32>,
    %add3A_350 = arith.constant 400 : i32
    %add3A_351 = arith.addi %mul3A_0, %add3A_350 : i32
    %add3A_352 = vector.broadcast %add3A_351 : i32 to vector<16xi32>
    %add3A_353 = arith.addi %iota3A, %add3A_352 : vector<16xi32>
    %min3A_354 = arith.constant 9999 : i32
    %min3A_355 = vector.broadcast %min3A_354 : i32 to vector<16xi32>
    %min3A_356 = arith.minsi %add3A_353, %min3A_355 : vector<16xi32>
    %mul3A_357 = arith.constant 128 : i32
    %mul3A_358 = vector.broadcast %mul3A_357 : i32 to vector<16xi32>
    %mul3A_359 = arith.muli %min3A_356, %mul3A_358 : vector<16xi32>
    %swap3A_360 = arith.constant 3 : i32
    %swap3A_361 = arith.index_cast %swap3A_360 : i32 to index
    %swap3A_362 = arith.constant 16 : index
    %swap3A_363 = tpu.vector_load %arg7[%swap3A_361, %swap3A_362] {strides = array<i32>} : memref<5x128xi32, #tpu.memory_space<vmem>>, vector<16xi32>,
    tpu.vector_store %arg7[%swap3A_361, %swap3A_362], %mul3A_359 {strides = array<i32>} : memref<5x128xi32, #tpu.memory_space<vmem>>, vector<16xi32>,
    %add3A_364 = arith.constant 416 : i32
    %add3A_365 = arith.addi %mul3A_0, %add3A_364 : i32
    %add3A_366 = vector.broadcast %add3A_365 : i32 to vector<16xi32>
    %add3A_367 = arith.addi %iota3A, %add3A_366 : vector<16xi32>
    %min3A_368 = arith.constant 9999 : i32
    %min3A_369 = vector.broadcast %min3A_368 : i32 to vector<16xi32>
    %min3A_370 = arith.minsi %add3A_367, %min3A_369 : vector<16xi32>
    %mul3A_371 = arith.constant 128 : i32
    %mul3A_372 = vector.broadcast %mul3A_371 : i32 to vector<16xi32>
    %mul3A_373 = arith.muli %min3A_370, %mul3A_372 : vector<16xi32>
    %swap3A_374 = arith.constant 3 : i32
    %swap3A_375 = arith.index_cast %swap3A_374 : i32 to index
    %swap3A_376 = arith.constant 32 : index
    %swap3A_377 = tpu.vector_load %arg7[%swap3A_375, %swap3A_376] {strides = array<i32>} : memref<5x128xi32, #tpu.memory_space<vmem>>, vector<16xi32>,
    tpu.vector_store %arg7[%swap3A_375, %swap3A_376], %mul3A_373 {strides = array<i32>} : memref<5x128xi32, #tpu.memory_space<vmem>>, vector<16xi32>,
    %add3A_378 = arith.constant 432 : i32
    %add3A_379 = arith.addi %mul3A_0, %add3A_378 : i32
    %add3A_380 = vector.broadcast %add3A_379 : i32 to vector<16xi32>
    %add3A_381 = arith.addi %iota3A, %add3A_380 : vector<16xi32>
    %min3A_382 = arith.constant 9999 : i32
    %min3A_383 = vector.broadcast %min3A_382 : i32 to vector<16xi32>
    %min3A_384 = arith.minsi %add3A_381, %min3A_383 : vector<16xi32>
    %mul3A_385 = arith.constant 128 : i32
    %mul3A_386 = vector.broadcast %mul3A_385 : i32 to vector<16xi32>
    %mul3A_387 = arith.muli %min3A_384, %mul3A_386 : vector<16xi32>
    %swap3A_388 = arith.constant 3 : i32
    %swap3A_389 = arith.index_cast %swap3A_388 : i32 to index
    %swap3A_390 = arith.constant 48 : index
    %swap3A_391 = tpu.vector_load %arg7[%swap3A_389, %swap3A_390] {strides = array<i32>} : memref<5x128xi32, #tpu.memory_space<vmem>>, vector<16xi32>,
    tpu.vector_store %arg7[%swap3A_389, %swap3A_390], %mul3A_387 {strides = array<i32>} : memref<5x128xi32, #tpu.memory_space<vmem>>, vector<16xi32>,
    %add3A_392 = arith.constant 448 : i32
    %add3A_393 = arith.addi %mul3A_0, %add3A_392 : i32
    %add3A_394 = vector.broadcast %add3A_393 : i32 to vector<16xi32>
    %add3A_395 = arith.addi %iota3A, %add3A_394 : vector<16xi32>
    %min3A_396 = arith.constant 9999 : i32
    %min3A_397 = vector.broadcast %min3A_396 : i32 to vector<16xi32>
    %min3A_398 = arith.minsi %add3A_395, %min3A_397 : vector<16xi32>
    %mul3A_399 = arith.constant 128 : i32
    %mul3A_400 = vector.broadcast %mul3A_399 : i32 to vector<16xi32>
    %mul3A_401 = arith.muli %min3A_398, %mul3A_400 : vector<16xi32>
    %swap3A_402 = arith.constant 3 : i32
    %swap3A_403 = arith.index_cast %swap3A_402 : i32 to index
    %swap3A_404 = arith.constant 64 : index
    %swap3A_405 = tpu.vector_load %arg7[%swap3A_403, %swap3A_404] {strides = array<i32>} : memref<5x128xi32, #tpu.memory_space<vmem>>, vector<16xi32>,
    tpu.vector_store %arg7[%swap3A_403, %swap3A_404], %mul3A_401 {strides = array<i32>} : memref<5x128xi32, #tpu.memory_space<vmem>>, vector<16xi32>,
    %add3A_406 = arith.constant 464 : i32
    %add3A_407 = arith.addi %mul3A_0, %add3A_406 : i32
    %add3A_408 = vector.broadcast %add3A_407 : i32 to vector<16xi32>
    %add3A_409 = arith.addi %iota3A, %add3A_408 : vector<16xi32>
    %min3A_410 = arith.constant 9999 : i32
    %min3A_411 = vector.broadcast %min3A_410 : i32 to vector<16xi32>
    %min3A_412 = arith.minsi %add3A_409, %min3A_411 : vector<16xi32>
    %mul3A_413 = arith.constant 128 : i32
    %mul3A_414 = vector.broadcast %mul3A_413 : i32 to vector<16xi32>
    %mul3A_415 = arith.muli %min3A_412, %mul3A_414 : vector<16xi32>
    %swap3A_416 = arith.constant 3 : i32
    %swap3A_417 = arith.index_cast %swap3A_416 : i32 to index
    %swap3A_418 = arith.constant 80 : index
    %swap3A_419 = tpu.vector_load %arg7[%swap3A_417, %swap3A_418] {strides = array<i32>} : memref<5x128xi32, #tpu.memory_space<vmem>>, vector<16xi32>,
    tpu.vector_store %arg7[%swap3A_417, %swap3A_418], %mul3A_415 {strides = array<i32>} : memref<5x128xi32, #tpu.memory_space<vmem>>, vector<16xi32>,
    %add3A_420 = arith.constant 480 : i32
    %add3A_421 = arith.addi %mul3A_0, %add3A_420 : i32
    %add3A_422 = vector.broadcast %add3A_421 : i32 to vector<16xi32>
    %add3A_423 = arith.addi %iota3A, %add3A_422 : vector<16xi32>
    %min3A_424 = arith.constant 9999 : i32
    %min3A_425 = vector.broadcast %min3A_424 : i32 to vector<16xi32>
    %min3A_426 = arith.minsi %add3A_423, %min3A_425 : vector<16xi32>
    %mul3A_427 = arith.constant 128 : i32
    %mul3A_428 = vector.broadcast %mul3A_427 : i32 to vector<16xi32>
    %mul3A_429 = arith.muli %min3A_426, %mul3A_428 : vector<16xi32>
    %swap3A_430 = arith.constant 3 : i32
    %swap3A_431 = arith.index_cast %swap3A_430 : i32 to index
    %swap3A_432 = arith.constant 96 : index
    %swap3A_433 = tpu.vector_load %arg7[%swap3A_431, %swap3A_432] {strides = array<i32>} : memref<5x128xi32, #tpu.memory_space<vmem>>, vector<16xi32>,
    tpu.vector_store %arg7[%swap3A_431, %swap3A_432], %mul3A_429 {strides = array<i32>} : memref<5x128xi32, #tpu.memory_space<vmem>>, vector<16xi32>,
    %add3A_434 = arith.constant 496 : i32
    %add3A_435 = arith.addi %mul3A_0, %add3A_434 : i32
    %add3A_436 = vector.broadcast %add3A_435 : i32 to vector<16xi32>
    %add3A_437 = arith.addi %iota3A, %add3A_436 : vector<16xi32>
    %min3A_438 = arith.constant 9999 : i32
    %min3A_439 = vector.broadcast %min3A_438 : i32 to vector<16xi32>
    %min3A_440 = arith.minsi %add3A_437, %min3A_439 : vector<16xi32>
    %mul3A_441 = arith.constant 128 : i32
    %mul3A_442 = vector.broadcast %mul3A_441 : i32 to vector<16xi32>
    %mul3A_443 = arith.muli %min3A_440, %mul3A_442 : vector<16xi32>
    %swap3A_444 = arith.constant 3 : i32
    %swap3A_445 = arith.index_cast %swap3A_444 : i32 to index
    %swap3A_446 = arith.constant 112 : index
    %swap3A_447 = tpu.vector_load %arg7[%swap3A_445, %swap3A_446] {strides = array<i32>} : memref<5x128xi32, #tpu.memory_space<vmem>>, vector<16xi32>,
    tpu.vector_store %arg7[%swap3A_445, %swap3A_446], %mul3A_443 {strides = array<i32>} : memref<5x128xi32, #tpu.memory_space<vmem>>, vector<16xi32>,
    %add3A_448 = arith.constant 512 : i32
    %add3A_449 = arith.addi %mul3A_0, %add3A_448 : i32
    %add3A_450 = vector.broadcast %add3A_449 : i32 to vector<16xi32>
    %add3A_451 = arith.addi %iota3A, %add3A_450 : vector<16xi32>
    %min3A_452 = arith.constant 9999 : i32
    %min3A_453 = vector.broadcast %min3A_452 : i32 to vector<16xi32>
    %min3A_454 = arith.minsi %add3A_451, %min3A_453 : vector<16xi32>
    %mul3A_455 = arith.constant 128 : i32
    %mul3A_456 = vector.broadcast %mul3A_455 : i32 to vector<16xi32>
    %mul3A_457 = arith.muli %min3A_454, %mul3A_456 : vector<16xi32>
    %swap3A_458 = arith.constant 4 : i32
    %swap3A_459 = arith.index_cast %swap3A_458 : i32 to index
    %swap3A_460 = arith.constant 0 : index
    %swap3A_461 = tpu.vector_load %arg7[%swap3A_459, %swap3A_460] {strides = array<i32>} : memref<5x128xi32, #tpu.memory_space<vmem>>, vector<16xi32>,
    tpu.vector_store %arg7[%swap3A_459, %swap3A_460], %mul3A_457 {strides = array<i32>} : memref<5x128xi32, #tpu.memory_space<vmem>>, vector<16xi32>,
    %add3A_462 = arith.constant 528 : i32
    %add3A_463 = arith.addi %mul3A_0, %add3A_462 : i32
    %add3A_464 = vector.broadcast %add3A_463 : i32 to vector<16xi32>
    %add3A_465 = arith.addi %iota3A, %add3A_464 : vector<16xi32>
    %min3A_466 = arith.constant 9999 : i32
    %min3A_467 = vector.broadcast %min3A_466 : i32 to vector<16xi32>
    %min3A_468 = arith.minsi %add3A_465, %min3A_467 : vector<16xi32>
    %mul3A_469 = arith.constant 128 : i32
    %mul3A_470 = vector.broadcast %mul3A_469 : i32 to vector<16xi32>
    %mul3A_471 = arith.muli %min3A_468, %mul3A_470 : vector<16xi32>
    %swap3A_472 = arith.constant 4 : i32
    %swap3A_473 = arith.index_cast %swap3A_472 : i32 to index
    %swap3A_474 = arith.constant 16 : index
    %swap3A_475 = tpu.vector_load %arg7[%swap3A_473, %swap3A_474] {strides = array<i32>} : memref<5x128xi32, #tpu.memory_space<vmem>>, vector<16xi32>,
    tpu.vector_store %arg7[%swap3A_473, %swap3A_474], %mul3A_471 {strides = array<i32>} : memref<5x128xi32, #tpu.memory_space<vmem>>, vector<16xi32>,
    %add3A_476 = arith.constant 544 : i32
    %add3A_477 = arith.addi %mul3A_0, %add3A_476 : i32
    %add3A_478 = vector.broadcast %add3A_477 : i32 to vector<16xi32>
    %add3A_479 = arith.addi %iota3A, %add3A_478 : vector<16xi32>
    %min3A_480 = arith.constant 9999 : i32
    %min3A_481 = vector.broadcast %min3A_480 : i32 to vector<16xi32>
    %min3A_482 = arith.minsi %add3A_479, %min3A_481 : vector<16xi32>
    %mul3A_483 = arith.constant 128 : i32
    %mul3A_484 = vector.broadcast %mul3A_483 : i32 to vector<16xi32>
    %mul3A_485 = arith.muli %min3A_482, %mul3A_484 : vector<16xi32>
    %swap3A_486 = arith.constant 4 : i32
    %swap3A_487 = arith.index_cast %swap3A_486 : i32 to index
    %swap3A_488 = arith.constant 32 : index
    %swap3A_489 = tpu.vector_load %arg7[%swap3A_487, %swap3A_488] {strides = array<i32>} : memref<5x128xi32, #tpu.memory_space<vmem>>, vector<16xi32>,
    tpu.vector_store %arg7[%swap3A_487, %swap3A_488], %mul3A_485 {strides = array<i32>} : memref<5x128xi32, #tpu.memory_space<vmem>>, vector<16xi32>,
    %add3A_490 = arith.constant 560 : i32
    %add3A_491 = arith.addi %mul3A_0, %add3A_490 : i32
    %add3A_492 = vector.broadcast %add3A_491 : i32 to vector<16xi32>
    %add3A_493 = arith.addi %iota3A, %add3A_492 : vector<16xi32>
    %min3A_494 = arith.constant 9999 : i32
    %min3A_495 = vector.broadcast %min3A_494 : i32 to vector<16xi32>
    %min3A_496 = arith.minsi %add3A_493, %min3A_495 : vector<16xi32>
    %mul3A_497 = arith.constant 128 : i32
    %mul3A_498 = vector.broadcast %mul3A_497 : i32 to vector<16xi32>
    %mul3A_499 = arith.muli %min3A_496, %mul3A_498 : vector<16xi32>
    %swap3A_500 = arith.constant 4 : i32
    %swap3A_501 = arith.index_cast %swap3A_500 : i32 to index
    %swap3A_502 = arith.constant 48 : index
    %swap3A_503 = tpu.vector_load %arg7[%swap3A_501, %swap3A_502] {strides = array<i32>} : memref<5x128xi32, #tpu.memory_space<vmem>>, vector<16xi32>,
    tpu.vector_store %arg7[%swap3A_501, %swap3A_502], %mul3A_499 {strides = array<i32>} : memref<5x128xi32, #tpu.memory_space<vmem>>, vector<16xi32>,
    %add3A_504 = arith.constant 576 : i32
    %add3A_505 = arith.addi %mul3A_0, %add3A_504 : i32
    %add3A_506 = vector.broadcast %add3A_505 : i32 to vector<16xi32>
    %add3A_507 = arith.addi %iota3A, %add3A_506 : vector<16xi32>
    %min3A_508 = arith.constant 9999 : i32
    %min3A_509 = vector.broadcast %min3A_508 : i32 to vector<16xi32>
    %min3A_510 = arith.minsi %add3A_507, %min3A_509 : vector<16xi32>
    %mul3A_511 = arith.constant 128 : i32
    %mul3A_512 = vector.broadcast %mul3A_511 : i32 to vector<16xi32>
    %mul3A_513 = arith.muli %min3A_510, %mul3A_512 : vector<16xi32>
    %swap3A_514 = arith.constant 4 : i32
    %swap3A_515 = arith.index_cast %swap3A_514 : i32 to index
    %swap3A_516 = arith.constant 64 : index
    %swap3A_517 = tpu.vector_load %arg7[%swap3A_515, %swap3A_516] {strides = array<i32>} : memref<5x128xi32, #tpu.memory_space<vmem>>, vector<16xi32>,
    tpu.vector_store %arg7[%swap3A_515, %swap3A_516], %mul3A_513 {strides = array<i32>} : memref<5x128xi32, #tpu.memory_space<vmem>>, vector<16xi32>,
    %add3A_518 = arith.constant 592 : i32
    %add3A_519 = arith.addi %mul3A_0, %add3A_518 : i32
    %add3A_520 = vector.broadcast %add3A_519 : i32 to vector<16xi32>
    %add3A_521 = arith.addi %iota3A, %add3A_520 : vector<16xi32>
    %min3A_522 = arith.constant 9999 : i32
    %min3A_523 = vector.broadcast %min3A_522 : i32 to vector<16xi32>
    %min3A_524 = arith.minsi %add3A_521, %min3A_523 : vector<16xi32>
    %mul3A_525 = arith.constant 128 : i32
    %mul3A_526 = vector.broadcast %mul3A_525 : i32 to vector<16xi32>
    %mul3A_527 = arith.muli %min3A_524, %mul3A_526 : vector<16xi32>
    %swap3A_528 = arith.constant 4 : i32
    %swap3A_529 = arith.index_cast %swap3A_528 : i32 to index
    %swap3A_530 = arith.constant 80 : index
    %swap3A_531 = tpu.vector_load %arg7[%swap3A_529, %swap3A_530] {strides = array<i32>} : memref<5x128xi32, #tpu.memory_space<vmem>>, vector<16xi32>,
    tpu.vector_store %arg7[%swap3A_529, %swap3A_530], %mul3A_527 {strides = array<i32>} : memref<5x128xi32, #tpu.memory_space<vmem>>, vector<16xi32>,
    %add3A_532 = arith.constant 608 : i32
    %add3A_533 = arith.addi %mul3A_0, %add3A_532 : i32
    %add3A_534 = vector.broadcast %add3A_533 : i32 to vector<16xi32>
    %add3A_535 = arith.addi %iota3A, %add3A_534 : vector<16xi32>
    %min3A_536 = arith.constant 9999 : i32
    %min3A_537 = vector.broadcast %min3A_536 : i32 to vector<16xi32>
    %min3A_538 = arith.minsi %add3A_535, %min3A_537 : vector<16xi32>
    %mul3A_539 = arith.constant 128 : i32
    %mul3A_540 = vector.broadcast %mul3A_539 : i32 to vector<16xi32>
    %mul3A_541 = arith.muli %min3A_538, %mul3A_540 : vector<16xi32>
    %swap3A_542 = arith.constant 4 : i32
    %swap3A_543 = arith.index_cast %swap3A_542 : i32 to index
    %swap3A_544 = arith.constant 96 : index
    %swap3A_545 = tpu.vector_load %arg7[%swap3A_543, %swap3A_544] {strides = array<i32>} : memref<5x128xi32, #tpu.memory_space<vmem>>, vector<16xi32>,
    tpu.vector_store %arg7[%swap3A_543, %swap3A_544], %mul3A_541 {strides = array<i32>} : memref<5x128xi32, #tpu.memory_space<vmem>>, vector<16xi32>,
    %add3A_546 = arith.constant 624 : i32
    %add3A_547 = arith.addi %mul3A_0, %add3A_546 : i32
    %add3A_548 = vector.broadcast %add3A_547 : i32 to vector<16xi32>
    %add3A_549 = arith.addi %iota3A, %add3A_548 : vector<16xi32>
    %min3A_550 = arith.constant 9999 : i32
    %min3A_551 = vector.broadcast %min3A_550 : i32 to vector<16xi32>
    %min3A_552 = arith.minsi %add3A_549, %min3A_551 : vector<16xi32>
    %mul3A_553 = arith.constant 128 : i32
    %mul3A_554 = vector.broadcast %mul3A_553 : i32 to vector<16xi32>
    %mul3A_555 = arith.muli %min3A_552, %mul3A_554 : vector<16xi32>
    %swap3A_556 = arith.constant 4 : i32
    %swap3A_557 = arith.index_cast %swap3A_556 : i32 to index
    %swap3A_558 = arith.constant 112 : index
    %swap3A_559 = tpu.vector_load %arg7[%swap3A_557, %swap3A_558] {strides = array<i32>} : memref<5x128xi32, #tpu.memory_space<vmem>>, vector<16xi32>,
    tpu.vector_store %arg7[%swap3A_557, %swap3A_558], %mul3A_555 {strides = array<i32>} : memref<5x128xi32, #tpu.memory_space<vmem>>, vector<16xi32>,
    %dma_start3A = arith.constant 0 : i32
    %dma_start3A_560 = arith.constant 0 : i32
    %dma_start3A_561 = tpu.memref_slice %arg8[%dma_start3A_560] : memref<640xf32, #tpu.memory_space<vmem>> -> memref<128xf32, #tpu.memory_space<vmem>>
    %dma_start3A_562 = arith.constant 0 : i32
    %dma_start3A_563 = tpu.memref_slice %arg7[%dma_start3A, %dma_start3A_562] : memref<5x128xi32, #tpu.memory_space<vmem>> -> memref<1x128xi32, #tpu.memory_space<vmem>>
    %dma_start3A_564 = tpu.memref_squeeze %dma_start3A_563 : memref<1x128xi32, #tpu.memory_space<vmem>> -> memref<128xi32, #tpu.memory_space<vmem>>
    %dma_start3A_565 = arith.constant 0 : i32
    %dma_start3A_566 = tpu.memref_slice %arg2[%dma_start3A_565] : memref<1280000xf32, #tpu.memory_space<hbm>> -> memref<1280000xf32, #tpu.memory_space<hbm>>
    tpu.enqueue_indirect_dma source(%dma_start3A_566 : memref<1280000xf32, #tpu.memory_space<hbm>>) target(%dma_start3A_561 : memref<128xf32, #tpu.memory_space<vmem>>) offsets(%dma_start3A_564 : memref<128xi32, #tpu.memory_space<vmem>>) semaphore(%arg16 : memref<!tpu.dma_semaphore, #tpu.memory_space<semaphore_mem>>)
    %dma_start3A_567 = arith.constant 1 : i32
    %dma_start3A_568 = arith.constant 128 : i32
    %dma_start3A_569 = tpu.memref_slice %arg8[%dma_start3A_568] : memref<640xf32, #tpu.memory_space<vmem>> -> memref<128xf32, #tpu.memory_space<vmem>>
    %dma_start3A_570 = arith.constant 0 : i32
    %dma_start3A_571 = tpu.memref_slice %arg7[%dma_start3A_567, %dma_start3A_570] : memref<5x128xi32, #tpu.memory_space<vmem>> -> memref<1x128xi32, #tpu.memory_space<vmem>>
    %dma_start3A_572 = tpu.memref_squeeze %dma_start3A_571 : memref<1x128xi32, #tpu.memory_space<vmem>> -> memref<128xi32, #tpu.memory_space<vmem>>
    %dma_start3A_573 = arith.constant 0 : i32
    %dma_start3A_574 = tpu.memref_slice %arg2[%dma_start3A_573] : memref<1280000xf32, #tpu.memory_space<hbm>> -> memref<1280000xf32, #tpu.memory_space<hbm>>
    tpu.enqueue_indirect_dma source(%dma_start3A_574 : memref<1280000xf32, #tpu.memory_space<hbm>>) target(%dma_start3A_569 : memref<128xf32, #tpu.memory_space<vmem>>) offsets(%dma_start3A_572 : memref<128xi32, #tpu.memory_space<vmem>>) semaphore(%arg16 : memref<!tpu.dma_semaphore, #tpu.memory_space<semaphore_mem>>)
    %dma_start3A_575 = arith.constant 2 : i32
    %dma_start3A_576 = arith.constant 256 : i32
    %dma_start3A_577 = tpu.memref_slice %arg8[%dma_start3A_576] : memref<640xf32, #tpu.memory_space<vmem>> -> memref<128xf32, #tpu.memory_space<vmem>>
    %dma_start3A_578 = arith.constant 0 : i32
    %dma_start3A_579 = tpu.memref_slice %arg7[%dma_start3A_575, %dma_start3A_578] : memref<5x128xi32, #tpu.memory_space<vmem>> -> memref<1x128xi32, #tpu.memory_space<vmem>>
    %dma_start3A_580 = tpu.memref_squeeze %dma_start3A_579 : memref<1x128xi32, #tpu.memory_space<vmem>> -> memref<128xi32, #tpu.memory_space<vmem>>
    %dma_start3A_581 = arith.constant 0 : i32
    %dma_start3A_582 = tpu.memref_slice %arg2[%dma_start3A_581] : memref<1280000xf32, #tpu.memory_space<hbm>> -> memref<1280000xf32, #tpu.memory_space<hbm>>
    tpu.enqueue_indirect_dma source(%dma_start3A_582 : memref<1280000xf32, #tpu.memory_space<hbm>>) target(%dma_start3A_577 : memref<128xf32, #tpu.memory_space<vmem>>) offsets(%dma_start3A_580 : memref<128xi32, #tpu.memory_space<vmem>>) semaphore(%arg16 : memref<!tpu.dma_semaphore, #tpu.memory_space<semaphore_mem>>)
    %dma_start3A_583 = arith.constant 3 : i32
    %dma_start3A_584 = arith.constant 384 : i32
    %dma_start3A_585 = tpu.memref_slice %arg8[%dma_start3A_584] : memref<640xf32, #tpu.memory_space<vmem>> -> memref<128xf32, #tpu.memory_space<vmem>>
    %dma_start3A_586 = arith.constant 0 : i32
    %dma_start3A_587 = tpu.memref_slice %arg7[%dma_start3A_583, %dma_start3A_586] : memref<5x128xi32, #tpu.memory_space<vmem>> -> memref<1x128xi32, #tpu.memory_space<vmem>>
    %dma_start3A_588 = tpu.memref_squeeze %dma_start3A_587 : memref<1x128xi32, #tpu.memory_space<vmem>> -> memref<128xi32, #tpu.memory_space<vmem>>
    %dma_start3A_589 = arith.constant 0 : i32
    %dma_start3A_590 = tpu.memref_slice %arg2[%dma_start3A_589] : memref<1280000xf32, #tpu.memory_space<hbm>> -> memref<1280000xf32, #tpu.memory_space<hbm>>
    tpu.enqueue_indirect_dma source(%dma_start3A_590 : memref<1280000xf32, #tpu.memory_space<hbm>>) target(%dma_start3A_585 : memref<128xf32, #tpu.memory_space<vmem>>) offsets(%dma_start3A_588 : memref<128xi32, #tpu.memory_space<vmem>>) semaphore(%arg16 : memref<!tpu.dma_semaphore, #tpu.memory_space<semaphore_mem>>)
    %dma_start3A_591 = arith.constant 4 : i32
    %dma_start3A_592 = arith.constant 512 : i32
    %dma_start3A_593 = tpu.memref_slice %arg8[%dma_start3A_592] : memref<640xf32, #tpu.memory_space<vmem>> -> memref<128xf32, #tpu.memory_space<vmem>>
    %dma_start3A_594 = arith.constant 0 : i32
    %dma_start3A_595 = tpu.memref_slice %arg7[%dma_start3A_591, %dma_start3A_594] : memref<5x128xi32, #tpu.memory_space<vmem>> -> memref<1x128xi32, #tpu.memory_space<vmem>>
    %dma_start3A_596 = tpu.memref_squeeze %dma_start3A_595 : memref<1x128xi32, #tpu.memory_space<vmem>> -> memref<128xi32, #tpu.memory_space<vmem>>
    %dma_start3A_597 = arith.constant 0 : i32
    %dma_start3A_598 = tpu.memref_slice %arg2[%dma_start3A_597] : memref<1280000xf32, #tpu.memory_space<hbm>> -> memref<1280000xf32, #tpu.memory_space<hbm>>
    tpu.enqueue_indirect_dma source(%dma_start3A_598 : memref<1280000xf32, #tpu.memory_space<hbm>>) target(%dma_start3A_593 : memref<128xf32, #tpu.memory_space<vmem>>) offsets(%dma_start3A_596 : memref<128xi32, #tpu.memory_space<vmem>>) semaphore(%arg16 : memref<!tpu.dma_semaphore, #tpu.memory_space<semaphore_mem>>)
    %dma_start3A_599 = arith.constant 0 : i32
    %dma_start3A_600 = arith.constant 0 : i32
    %dma_start3A_601 = arith.constant 0 : i32
    %dma_start3A_602 = tpu.memref_slice %arg9[%dma_start3A_599, %dma_start3A_600, %dma_start3A_601] : memref<157x2x128xi32, #tpu.memory_space<vmem>> -> memref<78x2x128xi32, #tpu.memory_space<vmem>>
    %dma_start3A_603 = arith.constant 0 : i32
    %dma_start3A_604 = arith.constant 0 : i32
    %dma_start3A_605 = tpu.memref_slice %arg3[%mul3A_2, %dma_start3A_603, %dma_start3A_604] : memref<2500x2x128xi32, #tpu.memory_space<hbm>> -> memref<78x2x128xi32, #tpu.memory_space<hbm>>
    %dma_start3A_606 = arith.constant 0 : i32
    %dma_start3A_607 = arith.constant 0 : i32
    %dma_start3A_608 = arith.constant 0 : i32
    %dma_start3A_609 = tpu.memref_slice %arg9[%dma_start3A_606, %dma_start3A_607, %dma_start3A_608] : memref<157x2x128xi32, #tpu.memory_space<vmem>> -> memref<78x2x128xi32, #tpu.memory_space<vmem>>
    %dma_start3A_610 = arith.constant 0 : i32
    %dma_start3A_611 = arith.constant 0 : i32
    %dma_start3A_612 = tpu.memref_slice %arg3[%mul3A_2, %dma_start3A_610, %dma_start3A_611] : memref<2500x2x128xi32, #tpu.memory_space<hbm>> -> memref<78x2x128xi32, #tpu.memory_space<hbm>>
    tpu.enqueue_dma source(%dma_start3A_612 : memref<78x2x128xi32, #tpu.memory_space<hbm>>) target(%dma_start3A_609 : memref<78x2x128xi32, #tpu.memory_space<vmem>>) target_semaphore(%arg15 : memref<!tpu.dma_semaphore, #tpu.memory_space<semaphore_mem>>)
    %add3A_613 = arith.constant 78 : i32
    %add3A_614 = arith.addi %mul3A_2, %add3A_613 : i32
    %dma_start3A_615 = arith.constant 78 : i32
    %dma_start3A_616 = arith.constant 0 : i32
    %dma_start3A_617 = arith.constant 0 : i32
    %dma_start3A_618 = tpu.memref_slice %arg9[%dma_start3A_615, %dma_start3A_616, %dma_start3A_617] : memref<157x2x128xi32, #tpu.memory_space<vmem>> -> memref<78x2x128xi32, #tpu.memory_space<vmem>>
    %dma_start3A_619 = arith.constant 0 : i32
    %dma_start3A_620 = arith.constant 0 : i32
    %dma_start3A_621 = tpu.memref_slice %arg3[%add3A_614, %dma_start3A_619, %dma_start3A_620] : memref<2500x2x128xi32, #tpu.memory_space<hbm>> -> memref<78x2x128xi32, #tpu.memory_space<hbm>>
    %dma_start3A_622 = arith.constant 78 : i32
    %dma_start3A_623 = arith.constant 0 : i32
    %dma_start3A_624 = arith.constant 0 : i32
    %dma_start3A_625 = tpu.memref_slice %arg9[%dma_start3A_622, %dma_start3A_623, %dma_start3A_624] : memref<157x2x128xi32, #tpu.memory_space<vmem>> -> memref<78x2x128xi32, #tpu.memory_space<vmem>>
    %dma_start3A_626 = arith.constant 0 : i32
    %dma_start3A_627 = arith.constant 0 : i32
    %dma_start3A_628 = tpu.memref_slice %arg3[%add3A_614, %dma_start3A_626, %dma_start3A_627] : memref<2500x2x128xi32, #tpu.memory_space<hbm>> -> memref<78x2x128xi32, #tpu.memory_space<hbm>>
    tpu.enqueue_dma source(%dma_start3A_628 : memref<78x2x128xi32, #tpu.memory_space<hbm>>) target(%dma_start3A_625 : memref<78x2x128xi32, #tpu.memory_space<vmem>>) target_semaphore(%arg17 : memref<!tpu.dma_semaphore, #tpu.memory_space<semaphore_mem>>)
    %lt3A = arith.constant 4 : i32
    %lt3A_629 = arith.cmpi slt, %arg1, %lt3A : i32
    %convert_element_type3A = arith.extui %lt3A_629 : i1 to i32
    %cond3A = arith.constant 0 : i32
    %cond3A_630 = arith.cmpi ne, %convert_element_type3A, %cond3A : i32
    scf.if %cond3A_630 {
      %add3A_744 = arith.constant 2496 : i32
      %add3A_745 = arith.addi %add3A_744, %arg1 : i32
      %dma_start3A_746 = arith.constant 156 : i32
      %dma_start3A_747 = arith.constant 0 : i32
      %dma_start3A_748 = arith.constant 0 : i32
      %dma_start3A_749 = tpu.memref_slice %arg9[%dma_start3A_746, %dma_start3A_747, %dma_start3A_748] : memref<157x2x128xi32, #tpu.memory_space<vmem>> -> memref<1x2x128xi32, #tpu.memory_space<vmem>>
      %dma_start3A_750 = arith.constant 0 : i32
      %dma_start3A_751 = arith.constant 0 : i32
      %dma_start3A_752 = tpu.memref_slice %arg3[%add3A_745, %dma_start3A_750, %dma_start3A_751] : memref<2500x2x128xi32, #tpu.memory_space<hbm>> -> memref<1x2x128xi32, #tpu.memory_space<hbm>>
      %dma_start3A_753 = arith.constant 156 : i32
      %dma_start3A_754 = arith.constant 0 : i32
      %dma_start3A_755 = arith.constant 0 : i32
      %dma_start3A_756 = tpu.memref_slice %arg9[%dma_start3A_753, %dma_start3A_754, %dma_start3A_755] : memref<157x2x128xi32, #tpu.memory_space<vmem>> -> memref<1x2x128xi32, #tpu.memory_space<vmem>>
      %dma_start3A_757 = arith.constant 0 : i32
      %dma_start3A_758 = arith.constant 0 : i32
      %dma_start3A_759 = tpu.memref_slice %arg3[%add3A_745, %dma_start3A_757, %dma_start3A_758] : memref<2500x2x128xi32, #tpu.memory_space<hbm>> -> memref<1x2x128xi32, #tpu.memory_space<hbm>>
      tpu.enqueue_dma source(%dma_start3A_759 : memref<1x2x128xi32, #tpu.memory_space<hbm>>) target(%dma_start3A_756 : memref<1x2x128xi32, #tpu.memory_space<vmem>>) target_semaphore(%arg15 : memref<!tpu.dma_semaphore, #tpu.memory_space<semaphore_mem>>)
      %dma_wait3A_760 = arith.constant 156 : i32
      %dma_wait3A_761 = arith.constant 0 : i32
      %dma_wait3A_762 = arith.constant 0 : i32
      %dma_wait3A_763 = tpu.memref_slice %arg9[%dma_wait3A_760, %dma_wait3A_761, %dma_wait3A_762] : memref<157x2x128xi32, #tpu.memory_space<vmem>> -> memref<1x2x128xi32, #tpu.memory_space<vmem>>
      %dma_wait3A_764 = arith.constant 0 : i32
      %dma_wait3A_765 = arith.constant 0 : i32
      %dma_wait3A_766 = tpu.memref_slice %arg3[%add3A_745, %dma_wait3A_764, %dma_wait3A_765] : memref<2500x2x128xi32, #tpu.memory_space<hbm>> -> memref<1x2x128xi32, #tpu.memory_space<hbm>>
      %dma_wait3A_767 = arith.constant 156 : i32
      %dma_wait3A_768 = arith.constant 0 : i32
      %dma_wait3A_769 = arith.constant 0 : i32
      %dma_wait3A_770 = tpu.memref_slice %arg9[%dma_wait3A_767, %dma_wait3A_768, %dma_wait3A_769] : memref<157x2x128xi32, #tpu.memory_space<vmem>> -> memref<1x2x128xi32, #tpu.memory_space<vmem>>
      %dma_wait3A_771 = arith.constant 0 : i32
      %dma_wait3A_772 = arith.constant 0 : i32
      %dma_wait3A_773 = tpu.memref_slice %arg3[%add3A_745, %dma_wait3A_771, %dma_wait3A_772] : memref<2500x2x128xi32, #tpu.memory_space<hbm>> -> memref<1x2x128xi32, #tpu.memory_space<hbm>>
      tpu.wait_dma2 semaphore(%arg15 : memref<!tpu.dma_semaphore, #tpu.memory_space<semaphore_mem>>) src(%dma_wait3A_773 : memref<1x2x128xi32, #tpu.memory_space<hbm>>) dst(%dma_wait3A_770 : memref<1x2x128xi32, #tpu.memory_space<vmem>>)
    } else {
    }
    %broadcast_in_dim3A = arith.constant 0.000000e+00 : f32
    %broadcast_in_dim3A_631 = vector.broadcast %broadcast_in_dim3A : f32 to vector<16xf32>
    %parallel_loop3A = arith.constant 0 : i32
    %parallel_loop3A_632 = arith.constant 640 : i32
    %parallel_loop3A_633 = arith.constant 1 : i32
    scf.for %parallel_loop3A_744 = %parallel_loop3A to %parallel_loop3A_632 step %parallel_loop3A_633  : i32 {
      %parallel_loop3A_745 = arith.constant 16 : i32
      %parallel_loop3A_746 = arith.muli %parallel_loop3A_744, %parallel_loop3A_745 : i32
      %parallel_loop3A_747 = arith.index_cast %parallel_loop3A_746 : i32 to index
      %parallel_loop3A_748 = tpu.vector_load %arg10[%parallel_loop3A_747] {strides = array<i32>} : memref<10240xf32, #tpu.memory_space<vmem>>, vector<16xf32>,
      tpu.vector_store %arg10[%parallel_loop3A_747], %broadcast_in_dim3A_631 {strides = array<i32>} : memref<10240xf32, #tpu.memory_space<vmem>>, vector<16xf32>,
    } {sc.loop_unroll_factor = 4 : i64, sc.parallel_access}
    %dma_wait3A = arith.constant 0 : i32
    %dma_wait3A_634 = arith.constant 0 : i32
    %dma_wait3A_635 = tpu.memref_slice %arg8[%dma_wait3A_634] : memref<640xf32, #tpu.memory_space<vmem>> -> memref<128xf32, #tpu.memory_space<vmem>>
    %dma_wait3A_636 = arith.constant 0 : i32
    %dma_wait3A_637 = tpu.memref_slice %arg7[%dma_wait3A, %dma_wait3A_636] : memref<5x128xi32, #tpu.memory_space<vmem>> -> memref<1x128xi32, #tpu.memory_space<vmem>>
    %dma_wait3A_638 = tpu.memref_squeeze %dma_wait3A_637 : memref<1x128xi32, #tpu.memory_space<vmem>> -> memref<128xi32, #tpu.memory_space<vmem>>
    %dma_wait3A_639 = arith.constant 0 : i32
    %dma_wait3A_640 = tpu.memref_slice %arg2[%dma_wait3A_639] : memref<1280000xf32, #tpu.memory_space<hbm>> -> memref<1280000xf32, #tpu.memory_space<hbm>>
    tpu.wait_indirect_dma semaphore(%arg16 : memref<!tpu.dma_semaphore, #tpu.memory_space<semaphore_mem>>) src(%dma_wait3A_640 : memref<1280000xf32, #tpu.memory_space<hbm>>) dst(%dma_wait3A_635 : memref<128xf32, #tpu.memory_space<vmem>>)
    %dma_wait3A_641 = arith.constant 1 : i32
    %dma_wait3A_642 = arith.constant 128 : i32
    %dma_wait3A_643 = tpu.memref_slice %arg8[%dma_wait3A_642] : memref<640xf32, #tpu.memory_space<vmem>> -> memref<128xf32, #tpu.memory_space<vmem>>
    %dma_wait3A_644 = arith.constant 0 : i32
    %dma_wait3A_645 = tpu.memref_slice %arg7[%dma_wait3A_641, %dma_wait3A_644] : memref<5x128xi32, #tpu.memory_space<vmem>> -> memref<1x128xi32, #tpu.memory_space<vmem>>
    %dma_wait3A_646 = tpu.memref_squeeze %dma_wait3A_645 : memref<1x128xi32, #tpu.memory_space<vmem>> -> memref<128xi32, #tpu.memory_space<vmem>>
    %dma_wait3A_647 = arith.constant 0 : i32
    %dma_wait3A_648 = tpu.memref_slice %arg2[%dma_wait3A_647] : memref<1280000xf32, #tpu.memory_space<hbm>> -> memref<1280000xf32, #tpu.memory_space<hbm>>
    tpu.wait_indirect_dma semaphore(%arg16 : memref<!tpu.dma_semaphore, #tpu.memory_space<semaphore_mem>>) src(%dma_wait3A_648 : memref<1280000xf32, #tpu.memory_space<hbm>>) dst(%dma_wait3A_643 : memref<128xf32, #tpu.memory_space<vmem>>)
    %dma_wait3A_649 = arith.constant 2 : i32
    %dma_wait3A_650 = arith.constant 256 : i32
    %dma_wait3A_651 = tpu.memref_slice %arg8[%dma_wait3A_650] : memref<640xf32, #tpu.memory_space<vmem>> -> memref<128xf32, #tpu.memory_space<vmem>>
    %dma_wait3A_652 = arith.constant 0 : i32
    %dma_wait3A_653 = tpu.memref_slice %arg7[%dma_wait3A_649, %dma_wait3A_652] : memref<5x128xi32, #tpu.memory_space<vmem>> -> memref<1x128xi32, #tpu.memory_space<vmem>>
    %dma_wait3A_654 = tpu.memref_squeeze %dma_wait3A_653 : memref<1x128xi32, #tpu.memory_space<vmem>> -> memref<128xi32, #tpu.memory_space<vmem>>
    %dma_wait3A_655 = arith.constant 0 : i32
    %dma_wait3A_656 = tpu.memref_slice %arg2[%dma_wait3A_655] : memref<1280000xf32, #tpu.memory_space<hbm>> -> memref<1280000xf32, #tpu.memory_space<hbm>>
    tpu.wait_indirect_dma semaphore(%arg16 : memref<!tpu.dma_semaphore, #tpu.memory_space<semaphore_mem>>) src(%dma_wait3A_656 : memref<1280000xf32, #tpu.memory_space<hbm>>) dst(%dma_wait3A_651 : memref<128xf32, #tpu.memory_space<vmem>>)
    %dma_wait3A_657 = arith.constant 3 : i32
    %dma_wait3A_658 = arith.constant 384 : i32
    %dma_wait3A_659 = tpu.memref_slice %arg8[%dma_wait3A_658] : memref<640xf32, #tpu.memory_space<vmem>> -> memref<128xf32, #tpu.memory_space<vmem>>
    %dma_wait3A_660 = arith.constant 0 : i32
    %dma_wait3A_661 = tpu.memref_slice %arg7[%dma_wait3A_657, %dma_wait3A_660] : memref<5x128xi32, #tpu.memory_space<vmem>> -> memref<1x128xi32, #tpu.memory_space<vmem>>
    %dma_wait3A_662 = tpu.memref_squeeze %dma_wait3A_661 : memref<1x128xi32, #tpu.memory_space<vmem>> -> memref<128xi32, #tpu.memory_space<vmem>>
    %dma_wait3A_663 = arith.constant 0 : i32
    %dma_wait3A_664 = tpu.memref_slice %arg2[%dma_wait3A_663] : memref<1280000xf32, #tpu.memory_space<hbm>> -> memref<1280000xf32, #tpu.memory_space<hbm>>
    tpu.wait_indirect_dma semaphore(%arg16 : memref<!tpu.dma_semaphore, #tpu.memory_space<semaphore_mem>>) src(%dma_wait3A_664 : memref<1280000xf32, #tpu.memory_space<hbm>>) dst(%dma_wait3A_659 : memref<128xf32, #tpu.memory_space<vmem>>)
    %dma_wait3A_665 = arith.constant 4 : i32
    %dma_wait3A_666 = arith.constant 512 : i32
    %dma_wait3A_667 = tpu.memref_slice %arg8[%dma_wait3A_666] : memref<640xf32, #tpu.memory_space<vmem>> -> memref<128xf32, #tpu.memory_space<vmem>>
    %dma_wait3A_668 = arith.constant 0 : i32
    %dma_wait3A_669 = tpu.memref_slice %arg7[%dma_wait3A_665, %dma_wait3A_668] : memref<5x128xi32, #tpu.memory_space<vmem>> -> memref<1x128xi32, #tpu.memory_space<vmem>>
    %dma_wait3A_670 = tpu.memref_squeeze %dma_wait3A_669 : memref<1x128xi32, #tpu.memory_space<vmem>> -> memref<128xi32, #tpu.memory_space<vmem>>
    %dma_wait3A_671 = arith.constant 0 : i32
    %dma_wait3A_672 = tpu.memref_slice %arg2[%dma_wait3A_671] : memref<1280000xf32, #tpu.memory_space<hbm>> -> memref<1280000xf32, #tpu.memory_space<hbm>>
    tpu.wait_indirect_dma semaphore(%arg16 : memref<!tpu.dma_semaphore, #tpu.memory_space<semaphore_mem>>) src(%dma_wait3A_672 : memref<1280000xf32, #tpu.memory_space<hbm>>) dst(%dma_wait3A_667 : memref<128xf32, #tpu.memory_space<vmem>>)
    "tpu.region"() ({
      %run_scoped3A_744 = tpu.sem_alloc : memref<!tpu.dma_semaphore, #tpu.memory_space<semaphore_mem>>
      %dma_start3A_745 = tpu.memref_slice %arg5[%mul3A_0] : memref<10240xf32, #tpu.memory_space<vmem_shared>> -> memref<640xf32, #tpu.memory_space<vmem_shared>>
      %dma_start3A_746 = tpu.memref_slice %arg5[%mul3A_0] : memref<10240xf32, #tpu.memory_space<vmem_shared>> -> memref<640xf32, #tpu.memory_space<vmem_shared>>
      tpu.enqueue_dma source(%arg8 : memref<640xf32, #tpu.memory_space<vmem>>) target(%dma_start3A_746 : memref<640xf32, #tpu.memory_space<vmem_shared>>) target_semaphore(%run_scoped3A_744 : memref<!tpu.dma_semaphore, #tpu.memory_space<semaphore_mem>>)
      %dma_wait3A_747 = tpu.memref_slice %arg5[%mul3A_0] : memref<10240xf32, #tpu.memory_space<vmem_shared>> -> memref<640xf32, #tpu.memory_space<vmem_shared>>
      %dma_wait3A_748 = tpu.memref_slice %arg5[%mul3A_0] : memref<10240xf32, #tpu.memory_space<vmem_shared>> -> memref<640xf32, #tpu.memory_space<vmem_shared>>
      tpu.wait_dma2 semaphore(%run_scoped3A_744 : memref<!tpu.dma_semaphore, #tpu.memory_space<semaphore_mem>>) src(%arg8 : memref<640xf32, #tpu.memory_space<vmem>>) dst(%dma_wait3A_748 : memref<640xf32, #tpu.memory_space<vmem_shared>>)
      tpu.yield
    }) : () -> ()
    %barrier3A = arith.constant 0 : index
    tpu.barrier barrier_id(%barrier3A)
    tpu.enqueue_dma source(%arg5 : memref<10240xf32, #tpu.memory_space<vmem_shared>>) target(%arg6 : memref<10240xf32, #tpu.memory_space<vmem>>) target_semaphore(%arg16 : memref<!tpu.dma_semaphore, #tpu.memory_space<semaphore_mem>>)
    %dma_wait3A_673 = arith.constant 0 : i32
    %dma_wait3A_674 = arith.constant 0 : i32
    %dma_wait3A_675 = arith.constant 0 : i32
    %dma_wait3A_676 = tpu.memref_slice %arg9[%dma_wait3A_673, %dma_wait3A_674, %dma_wait3A_675] : memref<157x2x128xi32, #tpu.memory_space<vmem>> -> memref<78x2x128xi32, #tpu.memory_space<vmem>>
    %dma_wait3A_677 = arith.constant 0 : i32
    %dma_wait3A_678 = arith.constant 0 : i32
    %dma_wait3A_679 = tpu.memref_slice %arg3[%mul3A_2, %dma_wait3A_677, %dma_wait3A_678] : memref<2500x2x128xi32, #tpu.memory_space<hbm>> -> memref<78x2x128xi32, #tpu.memory_space<hbm>>
    %dma_wait3A_680 = arith.constant 0 : i32
    %dma_wait3A_681 = arith.constant 0 : i32
    %dma_wait3A_682 = arith.constant 0 : i32
    %dma_wait3A_683 = tpu.memref_slice %arg9[%dma_wait3A_680, %dma_wait3A_681, %dma_wait3A_682] : memref<157x2x128xi32, #tpu.memory_space<vmem>> -> memref<78x2x128xi32, #tpu.memory_space<vmem>>
    %dma_wait3A_684 = arith.constant 0 : i32
    %dma_wait3A_685 = arith.constant 0 : i32
    %dma_wait3A_686 = tpu.memref_slice %arg3[%mul3A_2, %dma_wait3A_684, %dma_wait3A_685] : memref<2500x2x128xi32, #tpu.memory_space<hbm>> -> memref<78x2x128xi32, #tpu.memory_space<hbm>>
    tpu.wait_dma2 semaphore(%arg15 : memref<!tpu.dma_semaphore, #tpu.memory_space<semaphore_mem>>) src(%dma_wait3A_686 : memref<78x2x128xi32, #tpu.memory_space<hbm>>) dst(%dma_wait3A_683 : memref<78x2x128xi32, #tpu.memory_space<vmem>>)
    tpu.wait_dma2 semaphore(%arg16 : memref<!tpu.dma_semaphore, #tpu.memory_space<semaphore_mem>>) src(%arg5 : memref<10240xf32, #tpu.memory_space<vmem_shared>>) dst(%arg6 : memref<10240xf32, #tpu.memory_space<vmem>>)
    %parallel_loop3A_687 = arith.constant 0 : i32
    %parallel_loop3A_688 = arith.constant 78 : i32
    %parallel_loop3A_689 = arith.constant 1 : i32
    scf.for %parallel_loop3A_744 = %parallel_loop3A_687 to %parallel_loop3A_688 step %parallel_loop3A_689  : i32 {
      %parallel_loop3A_745 = arith.constant 0 : i32
      %parallel_loop3A_746 = arith.index_cast %parallel_loop3A_744 : i32 to index
      %parallel_loop3A_747 = arith.index_cast %parallel_loop3A_745 : i32 to index
      %parallel_loop3A_748 = arith.constant 0 : index
      %parallel_loop3A_749 = tpu.vector_load %arg9[%parallel_loop3A_746, %parallel_loop3A_747, %parallel_loop3A_748] {strides = array<i32>} : memref<157x2x128xi32, #tpu.memory_space<vmem>>, vector<16xi32>,
      %parallel_loop3A_750 = arith.constant 1 : i32
      %parallel_loop3A_751 = arith.index_cast %parallel_loop3A_744 : i32 to index
      %parallel_loop3A_752 = arith.index_cast %parallel_loop3A_750 : i32 to index
      %parallel_loop3A_753 = arith.constant 0 : index
      %parallel_loop3A_754 = tpu.vector_load %arg9[%parallel_loop3A_751, %parallel_loop3A_752, %parallel_loop3A_753] {strides = array<i32>} : memref<157x2x128xi32, #tpu.memory_space<vmem>>, vector<16xi32>,
      %parallel_loop3A_755 = tpu.vector_load_idx %arg6[%parallel_loop3A_749] : memref<10240xf32, #tpu.memory_space<vmem>>[vector<16xi32>], vector<16xf32>,
      tpu.vector_store_idx %arg10[%parallel_loop3A_754], %parallel_loop3A_755 {add = true} : memref<10240xf32, #tpu.memory_space<vmem>>[vector<16xi32>], vector<16xf32>,
      %parallel_loop3A_756 = arith.constant 0 : i32
      %parallel_loop3A_757 = arith.index_cast %parallel_loop3A_744 : i32 to index
      %parallel_loop3A_758 = arith.index_cast %parallel_loop3A_756 : i32 to index
      %parallel_loop3A_759 = arith.constant 16 : index
      %parallel_loop3A_760 = tpu.vector_load %arg9[%parallel_loop3A_757, %parallel_loop3A_758, %parallel_loop3A_759] {strides = array<i32>} : memref<157x2x128xi32, #tpu.memory_space<vmem>>, vector<16xi32>,
      %parallel_loop3A_761 = arith.constant 1 : i32
      %parallel_loop3A_762 = arith.index_cast %parallel_loop3A_744 : i32 to index
      %parallel_loop3A_763 = arith.index_cast %parallel_loop3A_761 : i32 to index
      %parallel_loop3A_764 = arith.constant 16 : index
      %parallel_loop3A_765 = tpu.vector_load %arg9[%parallel_loop3A_762, %parallel_loop3A_763, %parallel_loop3A_764] {strides = array<i32>} : memref<157x2x128xi32, #tpu.memory_space<vmem>>, vector<16xi32>,
      %parallel_loop3A_766 = tpu.vector_load_idx %arg6[%parallel_loop3A_760] : memref<10240xf32, #tpu.memory_space<vmem>>[vector<16xi32>], vector<16xf32>,
      tpu.vector_store_idx %arg10[%parallel_loop3A_765], %parallel_loop3A_766 {add = true} : memref<10240xf32, #tpu.memory_space<vmem>>[vector<16xi32>], vector<16xf32>,
      %parallel_loop3A_767 = arith.constant 0 : i32
      %parallel_loop3A_768 = arith.index_cast %parallel_loop3A_744 : i32 to index
      %parallel_loop3A_769 = arith.index_cast %parallel_loop3A_767 : i32 to index
      %parallel_loop3A_770 = arith.constant 32 : index
      %parallel_loop3A_771 = tpu.vector_load %arg9[%parallel_loop3A_768, %parallel_loop3A_769, %parallel_loop3A_770] {strides = array<i32>} : memref<157x2x128xi32, #tpu.memory_space<vmem>>, vector<16xi32>,
      %parallel_loop3A_772 = arith.constant 1 : i32
      %parallel_loop3A_773 = arith.index_cast %parallel_loop3A_744 : i32 to index
      %parallel_loop3A_774 = arith.index_cast %parallel_loop3A_772 : i32 to index
      %parallel_loop3A_775 = arith.constant 32 : index
      %parallel_loop3A_776 = tpu.vector_load %arg9[%parallel_loop3A_773, %parallel_loop3A_774, %parallel_loop3A_775] {strides = array<i32>} : memref<157x2x128xi32, #tpu.memory_space<vmem>>, vector<16xi32>,
      %parallel_loop3A_777 = tpu.vector_load_idx %arg6[%parallel_loop3A_771] : memref<10240xf32, #tpu.memory_space<vmem>>[vector<16xi32>], vector<16xf32>,
      tpu.vector_store_idx %arg10[%parallel_loop3A_776], %parallel_loop3A_777 {add = true} : memref<10240xf32, #tpu.memory_space<vmem>>[vector<16xi32>], vector<16xf32>,
      %parallel_loop3A_778 = arith.constant 0 : i32
      %parallel_loop3A_779 = arith.index_cast %parallel_loop3A_744 : i32 to index
      %parallel_loop3A_780 = arith.index_cast %parallel_loop3A_778 : i32 to index
      %parallel_loop3A_781 = arith.constant 48 : index
      %parallel_loop3A_782 = tpu.vector_load %arg9[%parallel_loop3A_779, %parallel_loop3A_780, %parallel_loop3A_781] {strides = array<i32>} : memref<157x2x128xi32, #tpu.memory_space<vmem>>, vector<16xi32>,
      %parallel_loop3A_783 = arith.constant 1 : i32
      %parallel_loop3A_784 = arith.index_cast %parallel_loop3A_744 : i32 to index
      %parallel_loop3A_785 = arith.index_cast %parallel_loop3A_783 : i32 to index
      %parallel_loop3A_786 = arith.constant 48 : index
      %parallel_loop3A_787 = tpu.vector_load %arg9[%parallel_loop3A_784, %parallel_loop3A_785, %parallel_loop3A_786] {strides = array<i32>} : memref<157x2x128xi32, #tpu.memory_space<vmem>>, vector<16xi32>,
      %parallel_loop3A_788 = tpu.vector_load_idx %arg6[%parallel_loop3A_782] : memref<10240xf32, #tpu.memory_space<vmem>>[vector<16xi32>], vector<16xf32>,
      tpu.vector_store_idx %arg10[%parallel_loop3A_787], %parallel_loop3A_788 {add = true} : memref<10240xf32, #tpu.memory_space<vmem>>[vector<16xi32>], vector<16xf32>,
      %parallel_loop3A_789 = arith.constant 0 : i32
      %parallel_loop3A_790 = arith.index_cast %parallel_loop3A_744 : i32 to index
      %parallel_loop3A_791 = arith.index_cast %parallel_loop3A_789 : i32 to index
      %parallel_loop3A_792 = arith.constant 64 : index
      %parallel_loop3A_793 = tpu.vector_load %arg9[%parallel_loop3A_790, %parallel_loop3A_791, %parallel_loop3A_792] {strides = array<i32>} : memref<157x2x128xi32, #tpu.memory_space<vmem>>, vector<16xi32>,
      %parallel_loop3A_794 = arith.constant 1 : i32
      %parallel_loop3A_795 = arith.index_cast %parallel_loop3A_744 : i32 to index
      %parallel_loop3A_796 = arith.index_cast %parallel_loop3A_794 : i32 to index
      %parallel_loop3A_797 = arith.constant 64 : index
      %parallel_loop3A_798 = tpu.vector_load %arg9[%parallel_loop3A_795, %parallel_loop3A_796, %parallel_loop3A_797] {strides = array<i32>} : memref<157x2x128xi32, #tpu.memory_space<vmem>>, vector<16xi32>,
      %parallel_loop3A_799 = tpu.vector_load_idx %arg6[%parallel_loop3A_793] : memref<10240xf32, #tpu.memory_space<vmem>>[vector<16xi32>], vector<16xf32>,
      tpu.vector_store_idx %arg10[%parallel_loop3A_798], %parallel_loop3A_799 {add = true} : memref<10240xf32, #tpu.memory_space<vmem>>[vector<16xi32>], vector<16xf32>,
      %parallel_loop3A_800 = arith.constant 0 : i32
      %parallel_loop3A_801 = arith.index_cast %parallel_loop3A_744 : i32 to index
      %parallel_loop3A_802 = arith.index_cast %parallel_loop3A_800 : i32 to index
      %parallel_loop3A_803 = arith.constant 80 : index
      %parallel_loop3A_804 = tpu.vector_load %arg9[%parallel_loop3A_801, %parallel_loop3A_802, %parallel_loop3A_803] {strides = array<i32>} : memref<157x2x128xi32, #tpu.memory_space<vmem>>, vector<16xi32>,
      %parallel_loop3A_805 = arith.constant 1 : i32
      %parallel_loop3A_806 = arith.index_cast %parallel_loop3A_744 : i32 to index
      %parallel_loop3A_807 = arith.index_cast %parallel_loop3A_805 : i32 to index
      %parallel_loop3A_808 = arith.constant 80 : index
      %parallel_loop3A_809 = tpu.vector_load %arg9[%parallel_loop3A_806, %parallel_loop3A_807, %parallel_loop3A_808] {strides = array<i32>} : memref<157x2x128xi32, #tpu.memory_space<vmem>>, vector<16xi32>,
      %parallel_loop3A_810 = tpu.vector_load_idx %arg6[%parallel_loop3A_804] : memref<10240xf32, #tpu.memory_space<vmem>>[vector<16xi32>], vector<16xf32>,
      tpu.vector_store_idx %arg10[%parallel_loop3A_809], %parallel_loop3A_810 {add = true} : memref<10240xf32, #tpu.memory_space<vmem>>[vector<16xi32>], vector<16xf32>,
      %parallel_loop3A_811 = arith.constant 0 : i32
      %parallel_loop3A_812 = arith.index_cast %parallel_loop3A_744 : i32 to index
      %parallel_loop3A_813 = arith.index_cast %parallel_loop3A_811 : i32 to index
      %parallel_loop3A_814 = arith.constant 96 : index
      %parallel_loop3A_815 = tpu.vector_load %arg9[%parallel_loop3A_812, %parallel_loop3A_813, %parallel_loop3A_814] {strides = array<i32>} : memref<157x2x128xi32, #tpu.memory_space<vmem>>, vector<16xi32>,
      %parallel_loop3A_816 = arith.constant 1 : i32
      %parallel_loop3A_817 = arith.index_cast %parallel_loop3A_744 : i32 to index
      %parallel_loop3A_818 = arith.index_cast %parallel_loop3A_816 : i32 to index
      %parallel_loop3A_819 = arith.constant 96 : index
      %parallel_loop3A_820 = tpu.vector_load %arg9[%parallel_loop3A_817, %parallel_loop3A_818, %parallel_loop3A_819] {strides = array<i32>} : memref<157x2x128xi32, #tpu.memory_space<vmem>>, vector<16xi32>,
      %parallel_loop3A_821 = tpu.vector_load_idx %arg6[%parallel_loop3A_815] : memref<10240xf32, #tpu.memory_space<vmem>>[vector<16xi32>], vector<16xf32>,
      tpu.vector_store_idx %arg10[%parallel_loop3A_820], %parallel_loop3A_821 {add = true} : memref<10240xf32, #tpu.memory_space<vmem>>[vector<16xi32>], vector<16xf32>,
      %parallel_loop3A_822 = arith.constant 0 : i32
      %parallel_loop3A_823 = arith.index_cast %parallel_loop3A_744 : i32 to index
      %parallel_loop3A_824 = arith.index_cast %parallel_loop3A_822 : i32 to index
      %parallel_loop3A_825 = arith.constant 112 : index
      %parallel_loop3A_826 = tpu.vector_load %arg9[%parallel_loop3A_823, %parallel_loop3A_824, %parallel_loop3A_825] {strides = array<i32>} : memref<157x2x128xi32, #tpu.memory_space<vmem>>, vector<16xi32>,
      %parallel_loop3A_827 = arith.constant 1 : i32
      %parallel_loop3A_828 = arith.index_cast %parallel_loop3A_744 : i32 to index
      %parallel_loop3A_829 = arith.index_cast %parallel_loop3A_827 : i32 to index
      %parallel_loop3A_830 = arith.constant 112 : index
      %parallel_loop3A_831 = tpu.vector_load %arg9[%parallel_loop3A_828, %parallel_loop3A_829, %parallel_loop3A_830] {strides = array<i32>} : memref<157x2x128xi32, #tpu.memory_space<vmem>>, vector<16xi32>,
      %parallel_loop3A_832 = tpu.vector_load_idx %arg6[%parallel_loop3A_826] : memref<10240xf32, #tpu.memory_space<vmem>>[vector<16xi32>], vector<16xf32>,
      tpu.vector_store_idx %arg10[%parallel_loop3A_831], %parallel_loop3A_832 {add = true} : memref<10240xf32, #tpu.memory_space<vmem>>[vector<16xi32>], vector<16xf32>,
    } {sc.loop_unroll_factor = 1 : i64, sc.parallel_access}
    %dma_wait3A_690 = arith.constant 78 : i32
    %dma_wait3A_691 = arith.constant 0 : i32
    %dma_wait3A_692 = arith.constant 0 : i32
    %dma_wait3A_693 = tpu.memref_slice %arg9[%dma_wait3A_690, %dma_wait3A_691, %dma_wait3A_692] : memref<157x2x128xi32, #tpu.memory_space<vmem>> -> memref<78x2x128xi32, #tpu.memory_space<vmem>>
    %dma_wait3A_694 = arith.constant 0 : i32
    %dma_wait3A_695 = arith.constant 0 : i32
    %dma_wait3A_696 = tpu.memref_slice %arg3[%add3A_614, %dma_wait3A_694, %dma_wait3A_695] : memref<2500x2x128xi32, #tpu.memory_space<hbm>> -> memref<78x2x128xi32, #tpu.memory_space<hbm>>
    %dma_wait3A_697 = arith.constant 78 : i32
    %dma_wait3A_698 = arith.constant 0 : i32
    %dma_wait3A_699 = arith.constant 0 : i32
    %dma_wait3A_700 = tpu.memref_slice %arg9[%dma_wait3A_697, %dma_wait3A_698, %dma_wait3A_699] : memref<157x2x128xi32, #tpu.memory_space<vmem>> -> memref<78x2x128xi32, #tpu.memory_space<vmem>>
    %dma_wait3A_701 = arith.constant 0 : i32
    %dma_wait3A_702 = arith.constant 0 : i32
    %dma_wait3A_703 = tpu.memref_slice %arg3[%add3A_614, %dma_wait3A_701, %dma_wait3A_702] : memref<2500x2x128xi32, #tpu.memory_space<hbm>> -> memref<78x2x128xi32, #tpu.memory_space<hbm>>
    tpu.wait_dma2 semaphore(%arg17 : memref<!tpu.dma_semaphore, #tpu.memory_space<semaphore_mem>>) src(%dma_wait3A_703 : memref<78x2x128xi32, #tpu.memory_space<hbm>>) dst(%dma_wait3A_700 : memref<78x2x128xi32, #tpu.memory_space<vmem>>)
    %parallel_loop3A_704 = arith.constant 78 : i32
    %parallel_loop3A_705 = arith.constant 156 : i32
    %parallel_loop3A_706 = arith.constant 1 : i32
    scf.for %parallel_loop3A_744 = %parallel_loop3A_704 to %parallel_loop3A_705 step %parallel_loop3A_706  : i32 {
      %parallel_loop3A_745 = arith.constant 0 : i32
      %parallel_loop3A_746 = arith.index_cast %parallel_loop3A_744 : i32 to index
      %parallel_loop3A_747 = arith.index_cast %parallel_loop3A_745 : i32 to index
      %parallel_loop3A_748 = arith.constant 0 : index
      %parallel_loop3A_749 = tpu.vector_load %arg9[%parallel_loop3A_746, %parallel_loop3A_747, %parallel_loop3A_748] {strides = array<i32>} : memref<157x2x128xi32, #tpu.memory_space<vmem>>, vector<16xi32>,
      %parallel_loop3A_750 = arith.constant 1 : i32
      %parallel_loop3A_751 = arith.index_cast %parallel_loop3A_744 : i32 to index
      %parallel_loop3A_752 = arith.index_cast %parallel_loop3A_750 : i32 to index
      %parallel_loop3A_753 = arith.constant 0 : index
      %parallel_loop3A_754 = tpu.vector_load %arg9[%parallel_loop3A_751, %parallel_loop3A_752, %parallel_loop3A_753] {strides = array<i32>} : memref<157x2x128xi32, #tpu.memory_space<vmem>>, vector<16xi32>,
      %parallel_loop3A_755 = tpu.vector_load_idx %arg6[%parallel_loop3A_749] : memref<10240xf32, #tpu.memory_space<vmem>>[vector<16xi32>], vector<16xf32>,
      tpu.vector_store_idx %arg10[%parallel_loop3A_754], %parallel_loop3A_755 {add = true} : memref<10240xf32, #tpu.memory_space<vmem>>[vector<16xi32>], vector<16xf32>,
      %parallel_loop3A_756 = arith.constant 0 : i32
      %parallel_loop3A_757 = arith.index_cast %parallel_loop3A_744 : i32 to index
      %parallel_loop3A_758 = arith.index_cast %parallel_loop3A_756 : i32 to index
      %parallel_loop3A_759 = arith.constant 16 : index
      %parallel_loop3A_760 = tpu.vector_load %arg9[%parallel_loop3A_757, %parallel_loop3A_758, %parallel_loop3A_759] {strides = array<i32>} : memref<157x2x128xi32, #tpu.memory_space<vmem>>, vector<16xi32>,
      %parallel_loop3A_761 = arith.constant 1 : i32
      %parallel_loop3A_762 = arith.index_cast %parallel_loop3A_744 : i32 to index
      %parallel_loop3A_763 = arith.index_cast %parallel_loop3A_761 : i32 to index
      %parallel_loop3A_764 = arith.constant 16 : index
      %parallel_loop3A_765 = tpu.vector_load %arg9[%parallel_loop3A_762, %parallel_loop3A_763, %parallel_loop3A_764] {strides = array<i32>} : memref<157x2x128xi32, #tpu.memory_space<vmem>>, vector<16xi32>,
      %parallel_loop3A_766 = tpu.vector_load_idx %arg6[%parallel_loop3A_760] : memref<10240xf32, #tpu.memory_space<vmem>>[vector<16xi32>], vector<16xf32>,
      tpu.vector_store_idx %arg10[%parallel_loop3A_765], %parallel_loop3A_766 {add = true} : memref<10240xf32, #tpu.memory_space<vmem>>[vector<16xi32>], vector<16xf32>,
      %parallel_loop3A_767 = arith.constant 0 : i32
      %parallel_loop3A_768 = arith.index_cast %parallel_loop3A_744 : i32 to index
      %parallel_loop3A_769 = arith.index_cast %parallel_loop3A_767 : i32 to index
      %parallel_loop3A_770 = arith.constant 32 : index
      %parallel_loop3A_771 = tpu.vector_load %arg9[%parallel_loop3A_768, %parallel_loop3A_769, %parallel_loop3A_770] {strides = array<i32>} : memref<157x2x128xi32, #tpu.memory_space<vmem>>, vector<16xi32>,
      %parallel_loop3A_772 = arith.constant 1 : i32
      %parallel_loop3A_773 = arith.index_cast %parallel_loop3A_744 : i32 to index
      %parallel_loop3A_774 = arith.index_cast %parallel_loop3A_772 : i32 to index
      %parallel_loop3A_775 = arith.constant 32 : index
      %parallel_loop3A_776 = tpu.vector_load %arg9[%parallel_loop3A_773, %parallel_loop3A_774, %parallel_loop3A_775] {strides = array<i32>} : memref<157x2x128xi32, #tpu.memory_space<vmem>>, vector<16xi32>,
      %parallel_loop3A_777 = tpu.vector_load_idx %arg6[%parallel_loop3A_771] : memref<10240xf32, #tpu.memory_space<vmem>>[vector<16xi32>], vector<16xf32>,
      tpu.vector_store_idx %arg10[%parallel_loop3A_776], %parallel_loop3A_777 {add = true} : memref<10240xf32, #tpu.memory_space<vmem>>[vector<16xi32>], vector<16xf32>,
      %parallel_loop3A_778 = arith.constant 0 : i32
      %parallel_loop3A_779 = arith.index_cast %parallel_loop3A_744 : i32 to index
      %parallel_loop3A_780 = arith.index_cast %parallel_loop3A_778 : i32 to index
      %parallel_loop3A_781 = arith.constant 48 : index
      %parallel_loop3A_782 = tpu.vector_load %arg9[%parallel_loop3A_779, %parallel_loop3A_780, %parallel_loop3A_781] {strides = array<i32>} : memref<157x2x128xi32, #tpu.memory_space<vmem>>, vector<16xi32>,
      %parallel_loop3A_783 = arith.constant 1 : i32
      %parallel_loop3A_784 = arith.index_cast %parallel_loop3A_744 : i32 to index
      %parallel_loop3A_785 = arith.index_cast %parallel_loop3A_783 : i32 to index
      %parallel_loop3A_786 = arith.constant 48 : index
      %parallel_loop3A_787 = tpu.vector_load %arg9[%parallel_loop3A_784, %parallel_loop3A_785, %parallel_loop3A_786] {strides = array<i32>} : memref<157x2x128xi32, #tpu.memory_space<vmem>>, vector<16xi32>,
      %parallel_loop3A_788 = tpu.vector_load_idx %arg6[%parallel_loop3A_782] : memref<10240xf32, #tpu.memory_space<vmem>>[vector<16xi32>], vector<16xf32>,
      tpu.vector_store_idx %arg10[%parallel_loop3A_787], %parallel_loop3A_788 {add = true} : memref<10240xf32, #tpu.memory_space<vmem>>[vector<16xi32>], vector<16xf32>,
      %parallel_loop3A_789 = arith.constant 0 : i32
      %parallel_loop3A_790 = arith.index_cast %parallel_loop3A_744 : i32 to index
      %parallel_loop3A_791 = arith.index_cast %parallel_loop3A_789 : i32 to index
      %parallel_loop3A_792 = arith.constant 64 : index
      %parallel_loop3A_793 = tpu.vector_load %arg9[%parallel_loop3A_790, %parallel_loop3A_791, %parallel_loop3A_792] {strides = array<i32>} : memref<157x2x128xi32, #tpu.memory_space<vmem>>, vector<16xi32>,
      %parallel_loop3A_794 = arith.constant 1 : i32
      %parallel_loop3A_795 = arith.index_cast %parallel_loop3A_744 : i32 to index
      %parallel_loop3A_796 = arith.index_cast %parallel_loop3A_794 : i32 to index
      %parallel_loop3A_797 = arith.constant 64 : index
      %parallel_loop3A_798 = tpu.vector_load %arg9[%parallel_loop3A_795, %parallel_loop3A_796, %parallel_loop3A_797] {strides = array<i32>} : memref<157x2x128xi32, #tpu.memory_space<vmem>>, vector<16xi32>,
      %parallel_loop3A_799 = tpu.vector_load_idx %arg6[%parallel_loop3A_793] : memref<10240xf32, #tpu.memory_space<vmem>>[vector<16xi32>], vector<16xf32>,
      tpu.vector_store_idx %arg10[%parallel_loop3A_798], %parallel_loop3A_799 {add = true} : memref<10240xf32, #tpu.memory_space<vmem>>[vector<16xi32>], vector<16xf32>,
      %parallel_loop3A_800 = arith.constant 0 : i32
      %parallel_loop3A_801 = arith.index_cast %parallel_loop3A_744 : i32 to index
      %parallel_loop3A_802 = arith.index_cast %parallel_loop3A_800 : i32 to index
      %parallel_loop3A_803 = arith.constant 80 : index
      %parallel_loop3A_804 = tpu.vector_load %arg9[%parallel_loop3A_801, %parallel_loop3A_802, %parallel_loop3A_803] {strides = array<i32>} : memref<157x2x128xi32, #tpu.memory_space<vmem>>, vector<16xi32>,
      %parallel_loop3A_805 = arith.constant 1 : i32
      %parallel_loop3A_806 = arith.index_cast %parallel_loop3A_744 : i32 to index
      %parallel_loop3A_807 = arith.index_cast %parallel_loop3A_805 : i32 to index
      %parallel_loop3A_808 = arith.constant 80 : index
      %parallel_loop3A_809 = tpu.vector_load %arg9[%parallel_loop3A_806, %parallel_loop3A_807, %parallel_loop3A_808] {strides = array<i32>} : memref<157x2x128xi32, #tpu.memory_space<vmem>>, vector<16xi32>,
      %parallel_loop3A_810 = tpu.vector_load_idx %arg6[%parallel_loop3A_804] : memref<10240xf32, #tpu.memory_space<vmem>>[vector<16xi32>], vector<16xf32>,
      tpu.vector_store_idx %arg10[%parallel_loop3A_809], %parallel_loop3A_810 {add = true} : memref<10240xf32, #tpu.memory_space<vmem>>[vector<16xi32>], vector<16xf32>,
      %parallel_loop3A_811 = arith.constant 0 : i32
      %parallel_loop3A_812 = arith.index_cast %parallel_loop3A_744 : i32 to index
      %parallel_loop3A_813 = arith.index_cast %parallel_loop3A_811 : i32 to index
      %parallel_loop3A_814 = arith.constant 96 : index
      %parallel_loop3A_815 = tpu.vector_load %arg9[%parallel_loop3A_812, %parallel_loop3A_813, %parallel_loop3A_814] {strides = array<i32>} : memref<157x2x128xi32, #tpu.memory_space<vmem>>, vector<16xi32>,
      %parallel_loop3A_816 = arith.constant 1 : i32
      %parallel_loop3A_817 = arith.index_cast %parallel_loop3A_744 : i32 to index
      %parallel_loop3A_818 = arith.index_cast %parallel_loop3A_816 : i32 to index
      %parallel_loop3A_819 = arith.constant 96 : index
      %parallel_loop3A_820 = tpu.vector_load %arg9[%parallel_loop3A_817, %parallel_loop3A_818, %parallel_loop3A_819] {strides = array<i32>} : memref<157x2x128xi32, #tpu.memory_space<vmem>>, vector<16xi32>,
      %parallel_loop3A_821 = tpu.vector_load_idx %arg6[%parallel_loop3A_815] : memref<10240xf32, #tpu.memory_space<vmem>>[vector<16xi32>], vector<16xf32>,
      tpu.vector_store_idx %arg10[%parallel_loop3A_820], %parallel_loop3A_821 {add = true} : memref<10240xf32, #tpu.memory_space<vmem>>[vector<16xi32>], vector<16xf32>,
      %parallel_loop3A_822 = arith.constant 0 : i32
      %parallel_loop3A_823 = arith.index_cast %parallel_loop3A_744 : i32 to index
      %parallel_loop3A_824 = arith.index_cast %parallel_loop3A_822 : i32 to index
      %parallel_loop3A_825 = arith.constant 112 : index
      %parallel_loop3A_826 = tpu.vector_load %arg9[%parallel_loop3A_823, %parallel_loop3A_824, %parallel_loop3A_825] {strides = array<i32>} : memref<157x2x128xi32, #tpu.memory_space<vmem>>, vector<16xi32>,
      %parallel_loop3A_827 = arith.constant 1 : i32
      %parallel_loop3A_828 = arith.index_cast %parallel_loop3A_744 : i32 to index
      %parallel_loop3A_829 = arith.index_cast %parallel_loop3A_827 : i32 to index
      %parallel_loop3A_830 = arith.constant 112 : index
      %parallel_loop3A_831 = tpu.vector_load %arg9[%parallel_loop3A_828, %parallel_loop3A_829, %parallel_loop3A_830] {strides = array<i32>} : memref<157x2x128xi32, #tpu.memory_space<vmem>>, vector<16xi32>,
      %parallel_loop3A_832 = tpu.vector_load_idx %arg6[%parallel_loop3A_826] : memref<10240xf32, #tpu.memory_space<vmem>>[vector<16xi32>], vector<16xf32>,
      tpu.vector_store_idx %arg10[%parallel_loop3A_831], %parallel_loop3A_832 {add = true} : memref<10240xf32, #tpu.memory_space<vmem>>[vector<16xi32>], vector<16xf32>,
    } {sc.loop_unroll_factor = 1 : i64, sc.parallel_access}
    %lt3A_707 = arith.constant 4 : i32
    %lt3A_708 = arith.cmpi slt, %arg1, %lt3A_707 : i32
    %convert_element_type3A_709 = arith.extui %lt3A_708 : i1 to i32
    %cond3A_710 = arith.constant 0 : i32
    %cond3A_711 = arith.cmpi ne, %convert_element_type3A_709, %cond3A_710 : i32
    scf.if %cond3A_711 {
      %get3A = arith.constant 156 : i32
      %get3A_744 = arith.constant 0 : i32
      %get3A_745 = arith.index_cast %get3A : i32 to index
      %get3A_746 = arith.index_cast %get3A_744 : i32 to index
      %get3A_747 = arith.constant 0 : index
      %get3A_748 = tpu.vector_load %arg9[%get3A_745, %get3A_746, %get3A_747] {strides = array<i32>} : memref<157x2x128xi32, #tpu.memory_space<vmem>>, vector<16xi32>,
      %get3A_749 = arith.constant 156 : i32
      %get3A_750 = arith.constant 1 : i32
      %get3A_751 = arith.index_cast %get3A_749 : i32 to index
      %get3A_752 = arith.index_cast %get3A_750 : i32 to index
      %get3A_753 = arith.constant 0 : index
      %get3A_754 = tpu.vector_load %arg9[%get3A_751, %get3A_752, %get3A_753] {strides = array<i32>} : memref<157x2x128xi32, #tpu.memory_space<vmem>>, vector<16xi32>,
      %gather3A = tpu.vector_load_idx %arg6[%get3A_748] : memref<10240xf32, #tpu.memory_space<vmem>>[vector<16xi32>], vector<16xf32>,
      tpu.vector_store_idx %arg10[%get3A_754], %gather3A {add = true} : memref<10240xf32, #tpu.memory_space<vmem>>[vector<16xi32>], vector<16xf32>,
      %get3A_755 = arith.constant 156 : i32
      %get3A_756 = arith.constant 0 : i32
      %get3A_757 = arith.index_cast %get3A_755 : i32 to index
      %get3A_758 = arith.index_cast %get3A_756 : i32 to index
      %get3A_759 = arith.constant 16 : index
      %get3A_760 = tpu.vector_load %arg9[%get3A_757, %get3A_758, %get3A_759] {strides = array<i32>} : memref<157x2x128xi32, #tpu.memory_space<vmem>>, vector<16xi32>,
      %get3A_761 = arith.constant 156 : i32
      %get3A_762 = arith.constant 1 : i32
      %get3A_763 = arith.index_cast %get3A_761 : i32 to index
      %get3A_764 = arith.index_cast %get3A_762 : i32 to index
      %get3A_765 = arith.constant 16 : index
      %get3A_766 = tpu.vector_load %arg9[%get3A_763, %get3A_764, %get3A_765] {strides = array<i32>} : memref<157x2x128xi32, #tpu.memory_space<vmem>>, vector<16xi32>,
      %gather3A_767 = tpu.vector_load_idx %arg6[%get3A_760] : memref<10240xf32, #tpu.memory_space<vmem>>[vector<16xi32>], vector<16xf32>,
      tpu.vector_store_idx %arg10[%get3A_766], %gather3A_767 {add = true} : memref<10240xf32, #tpu.memory_space<vmem>>[vector<16xi32>], vector<16xf32>,
      %get3A_768 = arith.constant 156 : i32
      %get3A_769 = arith.constant 0 : i32
      %get3A_770 = arith.index_cast %get3A_768 : i32 to index
      %get3A_771 = arith.index_cast %get3A_769 : i32 to index
      %get3A_772 = arith.constant 32 : index
      %get3A_773 = tpu.vector_load %arg9[%get3A_770, %get3A_771, %get3A_772] {strides = array<i32>} : memref<157x2x128xi32, #tpu.memory_space<vmem>>, vector<16xi32>,
      %get3A_774 = arith.constant 156 : i32
      %get3A_775 = arith.constant 1 : i32
      %get3A_776 = arith.index_cast %get3A_774 : i32 to index
      %get3A_777 = arith.index_cast %get3A_775 : i32 to index
      %get3A_778 = arith.constant 32 : index
      %get3A_779 = tpu.vector_load %arg9[%get3A_776, %get3A_777, %get3A_778] {strides = array<i32>} : memref<157x2x128xi32, #tpu.memory_space<vmem>>, vector<16xi32>,
      %gather3A_780 = tpu.vector_load_idx %arg6[%get3A_773] : memref<10240xf32, #tpu.memory_space<vmem>>[vector<16xi32>], vector<16xf32>,
      tpu.vector_store_idx %arg10[%get3A_779], %gather3A_780 {add = true} : memref<10240xf32, #tpu.memory_space<vmem>>[vector<16xi32>], vector<16xf32>,
      %get3A_781 = arith.constant 156 : i32
      %get3A_782 = arith.constant 0 : i32
      %get3A_783 = arith.index_cast %get3A_781 : i32 to index
      %get3A_784 = arith.index_cast %get3A_782 : i32 to index
      %get3A_785 = arith.constant 48 : index
      %get3A_786 = tpu.vector_load %arg9[%get3A_783, %get3A_784, %get3A_785] {strides = array<i32>} : memref<157x2x128xi32, #tpu.memory_space<vmem>>, vector<16xi32>,
      %get3A_787 = arith.constant 156 : i32
      %get3A_788 = arith.constant 1 : i32
      %get3A_789 = arith.index_cast %get3A_787 : i32 to index
      %get3A_790 = arith.index_cast %get3A_788 : i32 to index
      %get3A_791 = arith.constant 48 : index
      %get3A_792 = tpu.vector_load %arg9[%get3A_789, %get3A_790, %get3A_791] {strides = array<i32>} : memref<157x2x128xi32, #tpu.memory_space<vmem>>, vector<16xi32>,
      %gather3A_793 = tpu.vector_load_idx %arg6[%get3A_786] : memref<10240xf32, #tpu.memory_space<vmem>>[vector<16xi32>], vector<16xf32>,
      tpu.vector_store_idx %arg10[%get3A_792], %gather3A_793 {add = true} : memref<10240xf32, #tpu.memory_space<vmem>>[vector<16xi32>], vector<16xf32>,
      %get3A_794 = arith.constant 156 : i32
      %get3A_795 = arith.constant 0 : i32
      %get3A_796 = arith.index_cast %get3A_794 : i32 to index
      %get3A_797 = arith.index_cast %get3A_795 : i32 to index
      %get3A_798 = arith.constant 64 : index
      %get3A_799 = tpu.vector_load %arg9[%get3A_796, %get3A_797, %get3A_798] {strides = array<i32>} : memref<157x2x128xi32, #tpu.memory_space<vmem>>, vector<16xi32>,
      %get3A_800 = arith.constant 156 : i32
      %get3A_801 = arith.constant 1 : i32
      %get3A_802 = arith.index_cast %get3A_800 : i32 to index
      %get3A_803 = arith.index_cast %get3A_801 : i32 to index
      %get3A_804 = arith.constant 64 : index
      %get3A_805 = tpu.vector_load %arg9[%get3A_802, %get3A_803, %get3A_804] {strides = array<i32>} : memref<157x2x128xi32, #tpu.memory_space<vmem>>, vector<16xi32>,
      %gather3A_806 = tpu.vector_load_idx %arg6[%get3A_799] : memref<10240xf32, #tpu.memory_space<vmem>>[vector<16xi32>], vector<16xf32>,
      tpu.vector_store_idx %arg10[%get3A_805], %gather3A_806 {add = true} : memref<10240xf32, #tpu.memory_space<vmem>>[vector<16xi32>], vector<16xf32>,
      %get3A_807 = arith.constant 156 : i32
      %get3A_808 = arith.constant 0 : i32
      %get3A_809 = arith.index_cast %get3A_807 : i32 to index
      %get3A_810 = arith.index_cast %get3A_808 : i32 to index
      %get3A_811 = arith.constant 80 : index
      %get3A_812 = tpu.vector_load %arg9[%get3A_809, %get3A_810, %get3A_811] {strides = array<i32>} : memref<157x2x128xi32, #tpu.memory_space<vmem>>, vector<16xi32>,
      %get3A_813 = arith.constant 156 : i32
      %get3A_814 = arith.constant 1 : i32
      %get3A_815 = arith.index_cast %get3A_813 : i32 to index
      %get3A_816 = arith.index_cast %get3A_814 : i32 to index
      %get3A_817 = arith.constant 80 : index
      %get3A_818 = tpu.vector_load %arg9[%get3A_815, %get3A_816, %get3A_817] {strides = array<i32>} : memref<157x2x128xi32, #tpu.memory_space<vmem>>, vector<16xi32>,
      %gather3A_819 = tpu.vector_load_idx %arg6[%get3A_812] : memref<10240xf32, #tpu.memory_space<vmem>>[vector<16xi32>], vector<16xf32>,
      tpu.vector_store_idx %arg10[%get3A_818], %gather3A_819 {add = true} : memref<10240xf32, #tpu.memory_space<vmem>>[vector<16xi32>], vector<16xf32>,
      %get3A_820 = arith.constant 156 : i32
      %get3A_821 = arith.constant 0 : i32
      %get3A_822 = arith.index_cast %get3A_820 : i32 to index
      %get3A_823 = arith.index_cast %get3A_821 : i32 to index
      %get3A_824 = arith.constant 96 : index
      %get3A_825 = tpu.vector_load %arg9[%get3A_822, %get3A_823, %get3A_824] {strides = array<i32>} : memref<157x2x128xi32, #tpu.memory_space<vmem>>, vector<16xi32>,
      %get3A_826 = arith.constant 156 : i32
      %get3A_827 = arith.constant 1 : i32
      %get3A_828 = arith.index_cast %get3A_826 : i32 to index
      %get3A_829 = arith.index_cast %get3A_827 : i32 to index
      %get3A_830 = arith.constant 96 : index
      %get3A_831 = tpu.vector_load %arg9[%get3A_828, %get3A_829, %get3A_830] {strides = array<i32>} : memref<157x2x128xi32, #tpu.memory_space<vmem>>, vector<16xi32>,
      %gather3A_832 = tpu.vector_load_idx %arg6[%get3A_825] : memref<10240xf32, #tpu.memory_space<vmem>>[vector<16xi32>], vector<16xf32>,
      tpu.vector_store_idx %arg10[%get3A_831], %gather3A_832 {add = true} : memref<10240xf32, #tpu.memory_space<vmem>>[vector<16xi32>], vector<16xf32>,
      %get3A_833 = arith.constant 156 : i32
      %get3A_834 = arith.constant 0 : i32
      %get3A_835 = arith.index_cast %get3A_833 : i32 to index
      %get3A_836 = arith.index_cast %get3A_834 : i32 to index
      %get3A_837 = arith.constant 112 : index
      %get3A_838 = tpu.vector_load %arg9[%get3A_835, %get3A_836, %get3A_837] {strides = array<i32>} : memref<157x2x128xi32, #tpu.memory_space<vmem>>, vector<16xi32>,
      %get3A_839 = arith.constant 156 : i32
      %get3A_840 = arith.constant 1 : i32
      %get3A_841 = arith.index_cast %get3A_839 : i32 to index
      %get3A_842 = arith.index_cast %get3A_840 : i32 to index
      %get3A_843 = arith.constant 112 : index
      %get3A_844 = tpu.vector_load %arg9[%get3A_841, %get3A_842, %get3A_843] {strides = array<i32>} : memref<157x2x128xi32, #tpu.memory_space<vmem>>, vector<16xi32>,
      %gather3A_845 = tpu.vector_load_idx %arg6[%get3A_838] : memref<10240xf32, #tpu.memory_space<vmem>>[vector<16xi32>], vector<16xf32>,
      tpu.vector_store_idx %arg10[%get3A_844], %gather3A_845 {add = true} : memref<10240xf32, #tpu.memory_space<vmem>>[vector<16xi32>], vector<16xf32>,
    } else {
    }
    "tpu.region"() ({
      %run_scoped3A_744 = tpu.sem_alloc : memref<!tpu.dma_semaphore, #tpu.memory_space<semaphore_mem>>
      %dma_start3A_745 = arith.constant 0 : i32
      %dma_start3A_746 = tpu.memref_slice %arg14[%arg1, %dma_start3A_745] : memref<16x10240xf32, #tpu.memory_space<vmem_shared>> -> memref<1x10240xf32, #tpu.memory_space<vmem_shared>>
      %dma_start3A_747 = tpu.memref_squeeze %dma_start3A_746 : memref<1x10240xf32, #tpu.memory_space<vmem_shared>> -> memref<10240xf32, #tpu.memory_space<vmem_shared>>
      %dma_start3A_748 = arith.constant 0 : i32
      %dma_start3A_749 = tpu.memref_slice %arg14[%arg1, %dma_start3A_748] : memref<16x10240xf32, #tpu.memory_space<vmem_shared>> -> memref<1x10240xf32, #tpu.memory_space<vmem_shared>>
      %dma_start3A_750 = tpu.memref_squeeze %dma_start3A_749 : memref<1x10240xf32, #tpu.memory_space<vmem_shared>> -> memref<10240xf32, #tpu.memory_space<vmem_shared>>
      tpu.enqueue_dma source(%arg10 : memref<10240xf32, #tpu.memory_space<vmem>>) target(%dma_start3A_750 : memref<10240xf32, #tpu.memory_space<vmem_shared>>) target_semaphore(%run_scoped3A_744 : memref<!tpu.dma_semaphore, #tpu.memory_space<semaphore_mem>>)
      %dma_wait3A_751 = arith.constant 0 : i32
      %dma_wait3A_752 = tpu.memref_slice %arg14[%arg1, %dma_wait3A_751] : memref<16x10240xf32, #tpu.memory_space<vmem_shared>> -> memref<1x10240xf32, #tpu.memory_space<vmem_shared>>
      %dma_wait3A_753 = tpu.memref_squeeze %dma_wait3A_752 : memref<1x10240xf32, #tpu.memory_space<vmem_shared>> -> memref<10240xf32, #tpu.memory_space<vmem_shared>>
      %dma_wait3A_754 = arith.constant 0 : i32
      %dma_wait3A_755 = tpu.memref_slice %arg14[%arg1, %dma_wait3A_754] : memref<16x10240xf32, #tpu.memory_space<vmem_shared>> -> memref<1x10240xf32, #tpu.memory_space<vmem_shared>>
      %dma_wait3A_756 = tpu.memref_squeeze %dma_wait3A_755 : memref<1x10240xf32, #tpu.memory_space<vmem_shared>> -> memref<10240xf32, #tpu.memory_space<vmem_shared>>
      tpu.wait_dma2 semaphore(%run_scoped3A_744 : memref<!tpu.dma_semaphore, #tpu.memory_space<semaphore_mem>>) src(%arg10 : memref<10240xf32, #tpu.memory_space<vmem>>) dst(%dma_wait3A_756 : memref<10240xf32, #tpu.memory_space<vmem_shared>>)
      tpu.yield
    }) : () -> ()
    %barrier3A_712 = arith.constant 0 : index
    tpu.barrier barrier_id(%barrier3A_712)
    %dma_start3A_713 = arith.constant 1 : i32
    %dma_start3A_714 = tpu.memref_slice %arg14[%dma_start3A_713, %mul3A_0] : memref<16x10240xf32, #tpu.memory_space<vmem_shared>> -> memref<1x640xf32, #tpu.memory_space<vmem_shared>>
    %dma_start3A_715 = tpu.memref_squeeze %dma_start3A_714 : memref<1x640xf32, #tpu.memory_space<vmem_shared>> -> memref<640xf32, #tpu.memory_space<vmem_shared>>
    %dma_start3A_716 = tpu.memref_slice %arg14[%dma_start3A_713, %mul3A_0] : memref<16x10240xf32, #tpu.memory_space<vmem_shared>> -> memref<1x640xf32, #tpu.memory_space<vmem_shared>>
    %dma_start3A_717 = tpu.memref_squeeze %dma_start3A_716 : memref<1x640xf32, #tpu.memory_space<vmem_shared>> -> memref<640xf32, #tpu.memory_space<vmem_shared>>
    tpu.enqueue_dma source(%dma_start3A_717 : memref<640xf32, #tpu.memory_space<vmem_shared>>) target(%arg11 : memref<640xf32, #tpu.memory_space<vmem>>) target_semaphore(%arg16 : memref<!tpu.dma_semaphore, #tpu.memory_space<semaphore_mem>>)
    %run_scoped3A = arith.constant 0 : i32
    "tpu.region"() ({
      %run_scoped3A_744 = tpu.sem_alloc : memref<!tpu.dma_semaphore, #tpu.memory_space<semaphore_mem>>
      %dma_start3A_745 = tpu.memref_slice %arg14[%run_scoped3A, %mul3A_0] : memref<16x10240xf32, #tpu.memory_space<vmem_shared>> -> memref<1x640xf32, #tpu.memory_space<vmem_shared>>
      %dma_start3A_746 = tpu.memref_squeeze %dma_start3A_745 : memref<1x640xf32, #tpu.memory_space<vmem_shared>> -> memref<640xf32, #tpu.memory_space<vmem_shared>>
      %dma_start3A_747 = tpu.memref_slice %arg14[%run_scoped3A, %mul3A_0] : memref<16x10240xf32, #tpu.memory_space<vmem_shared>> -> memref<1x640xf32, #tpu.memory_space<vmem_shared>>
      %dma_start3A_748 = tpu.memref_squeeze %dma_start3A_747 : memref<1x640xf32, #tpu.memory_space<vmem_shared>> -> memref<640xf32, #tpu.memory_space<vmem_shared>>
      tpu.enqueue_dma source(%dma_start3A_748 : memref<640xf32, #tpu.memory_space<vmem_shared>>) target(%arg13 : memref<640xf32, #tpu.memory_space<vmem>>) target_semaphore(%run_scoped3A_744 : memref<!tpu.dma_semaphore, #tpu.memory_space<semaphore_mem>>)
      %dma_wait3A_749 = tpu.memref_slice %arg14[%run_scoped3A, %mul3A_0] : memref<16x10240xf32, #tpu.memory_space<vmem_shared>> -> memref<1x640xf32, #tpu.memory_space<vmem_shared>>
      %dma_wait3A_750 = tpu.memref_squeeze %dma_wait3A_749 : memref<1x640xf32, #tpu.memory_space<vmem_shared>> -> memref<640xf32, #tpu.memory_space<vmem_shared>>
      %dma_wait3A_751 = tpu.memref_slice %arg14[%run_scoped3A, %mul3A_0] : memref<16x10240xf32, #tpu.memory_space<vmem_shared>> -> memref<1x640xf32, #tpu.memory_space<vmem_shared>>
      %dma_wait3A_752 = tpu.memref_squeeze %dma_wait3A_751 : memref<1x640xf32, #tpu.memory_space<vmem_shared>> -> memref<640xf32, #tpu.memory_space<vmem_shared>>
      tpu.wait_dma2 semaphore(%run_scoped3A_744 : memref<!tpu.dma_semaphore, #tpu.memory_space<semaphore_mem>>) src(%dma_wait3A_752 : memref<640xf32, #tpu.memory_space<vmem_shared>>) dst(%arg13 : memref<640xf32, #tpu.memory_space<vmem>>)
      tpu.yield
    }) : () -> ()
    %scan3A = arith.constant 0 : i32
    %scan3A_718 = arith.constant 0 : i32
    %scan3A_719 = arith.constant 7 : i32
    %scan3A_720 = arith.addi %scan3A_718, %scan3A_719 : i32
    %scan3A_721 = arith.constant 1 : i32
    %scan3A_722 = scf.for %scan3A_744 = %scan3A_718 to %scan3A_720 step %scan3A_721 iter_args(%scan3A_745 = %scan3A) -> (i32)  : i32 {
      %mul3A_746 = arith.constant 2 : i32
      %mul3A_747 = arith.muli %mul3A_746, %scan3A_744 : i32
      %add3A_748 = arith.constant 1 : i32
      %add3A_749 = arith.addi %add3A_748, %mul3A_747 : i32
      %add3A_750 = arith.constant 1 : i32
      %add3A_751 = arith.addi %add3A_749, %add3A_750 : i32
      %dma_start3A_752 = tpu.memref_slice %arg14[%add3A_751, %mul3A_0] : memref<16x10240xf32, #tpu.memory_space<vmem_shared>> -> memref<1x640xf32, #tpu.memory_space<vmem_shared>>
      %dma_start3A_753 = tpu.memref_squeeze %dma_start3A_752 : memref<1x640xf32, #tpu.memory_space<vmem_shared>> -> memref<640xf32, #tpu.memory_space<vmem_shared>>
      %dma_start3A_754 = tpu.memref_slice %arg14[%add3A_751, %mul3A_0] : memref<16x10240xf32, #tpu.memory_space<vmem_shared>> -> memref<1x640xf32, #tpu.memory_space<vmem_shared>>
      %dma_start3A_755 = tpu.memref_squeeze %dma_start3A_754 : memref<1x640xf32, #tpu.memory_space<vmem_shared>> -> memref<640xf32, #tpu.memory_space<vmem_shared>>
      tpu.enqueue_dma source(%dma_start3A_755 : memref<640xf32, #tpu.memory_space<vmem_shared>>) target(%arg12 : memref<640xf32, #tpu.memory_space<vmem>>) target_semaphore(%arg17 : memref<!tpu.dma_semaphore, #tpu.memory_space<semaphore_mem>>)
      %dma_wait3A_756 = tpu.memref_slice %arg14[%add3A_749, %mul3A_0] : memref<16x10240xf32, #tpu.memory_space<vmem_shared>> -> memref<1x640xf32, #tpu.memory_space<vmem_shared>>
      %dma_wait3A_757 = tpu.memref_squeeze %dma_wait3A_756 : memref<1x640xf32, #tpu.memory_space<vmem_shared>> -> memref<640xf32, #tpu.memory_space<vmem_shared>>
      %dma_wait3A_758 = tpu.memref_slice %arg14[%add3A_749, %mul3A_0] : memref<16x10240xf32, #tpu.memory_space<vmem_shared>> -> memref<1x640xf32, #tpu.memory_space<vmem_shared>>
      %dma_wait3A_759 = tpu.memref_squeeze %dma_wait3A_758 : memref<1x640xf32, #tpu.memory_space<vmem_shared>> -> memref<640xf32, #tpu.memory_space<vmem_shared>>
      tpu.wait_dma2 semaphore(%arg16 : memref<!tpu.dma_semaphore, #tpu.memory_space<semaphore_mem>>) src(%dma_wait3A_759 : memref<640xf32, #tpu.memory_space<vmem_shared>>) dst(%arg11 : memref<640xf32, #tpu.memory_space<vmem>>)
      %parallel_loop3A_760 = arith.constant 0 : i32
      %parallel_loop3A_761 = arith.constant 40 : i32
      %parallel_loop3A_762 = arith.constant 1 : i32
      scf.for %parallel_loop3A_779 = %parallel_loop3A_760 to %parallel_loop3A_761 step %parallel_loop3A_762  : i32 {
        %parallel_loop3A_780 = arith.constant 16 : i32
        %parallel_loop3A_781 = arith.muli %parallel_loop3A_779, %parallel_loop3A_780 : i32
        %parallel_loop3A_782 = arith.index_cast %parallel_loop3A_781 : i32 to index
        %parallel_loop3A_783 = tpu.vector_load %arg13[%parallel_loop3A_782] {strides = array<i32>} : memref<640xf32, #tpu.memory_space<vmem>>, vector<16xf32>,
        %parallel_loop3A_784 = arith.index_cast %parallel_loop3A_781 : i32 to index
        %parallel_loop3A_785 = tpu.vector_load %arg11[%parallel_loop3A_784] {strides = array<i32>} : memref<640xf32, #tpu.memory_space<vmem>>, vector<16xf32>,
        %parallel_loop3A_786 = arith.addf %parallel_loop3A_783, %parallel_loop3A_785 : vector<16xf32>
        %parallel_loop3A_787 = arith.index_cast %parallel_loop3A_781 : i32 to index
        %parallel_loop3A_788 = tpu.vector_load %arg13[%parallel_loop3A_787] {strides = array<i32>} : memref<640xf32, #tpu.memory_space<vmem>>, vector<16xf32>,
        tpu.vector_store %arg13[%parallel_loop3A_787], %parallel_loop3A_786 {strides = array<i32>} : memref<640xf32, #tpu.memory_space<vmem>>, vector<16xf32>,
      } {sc.loop_unroll_factor = 4 : i64, sc.parallel_access}
      %add3A_763 = arith.constant 2 : i32
      %add3A_764 = arith.addi %add3A_749, %add3A_763 : i32
      %dma_start3A_765 = tpu.memref_slice %arg14[%add3A_764, %mul3A_0] : memref<16x10240xf32, #tpu.memory_space<vmem_shared>> -> memref<1x640xf32, #tpu.memory_space<vmem_shared>>
      %dma_start3A_766 = tpu.memref_squeeze %dma_start3A_765 : memref<1x640xf32, #tpu.memory_space<vmem_shared>> -> memref<640xf32, #tpu.memory_space<vmem_shared>>
      %dma_start3A_767 = tpu.memref_slice %arg14[%add3A_764, %mul3A_0] : memref<16x10240xf32, #tpu.memory_space<vmem_shared>> -> memref<1x640xf32, #tpu.memory_space<vmem_shared>>
      %dma_start3A_768 = tpu.memref_squeeze %dma_start3A_767 : memref<1x640xf32, #tpu.memory_space<vmem_shared>> -> memref<640xf32, #tpu.memory_space<vmem_shared>>
      tpu.enqueue_dma source(%dma_start3A_768 : memref<640xf32, #tpu.memory_space<vmem_shared>>) target(%arg11 : memref<640xf32, #tpu.memory_space<vmem>>) target_semaphore(%arg16 : memref<!tpu.dma_semaphore, #tpu.memory_space<semaphore_mem>>)
      %add3A_769 = arith.constant 1 : i32
      %add3A_770 = arith.addi %add3A_749, %add3A_769 : i32
      %dma_wait3A_771 = tpu.memref_slice %arg14[%add3A_770, %mul3A_0] : memref<16x10240xf32, #tpu.memory_space<vmem_shared>> -> memref<1x640xf32, #tpu.memory_space<vmem_shared>>
      %dma_wait3A_772 = tpu.memref_squeeze %dma_wait3A_771 : memref<1x640xf32, #tpu.memory_space<vmem_shared>> -> memref<640xf32, #tpu.memory_space<vmem_shared>>
      %dma_wait3A_773 = tpu.memref_slice %arg14[%add3A_770, %mul3A_0] : memref<16x10240xf32, #tpu.memory_space<vmem_shared>> -> memref<1x640xf32, #tpu.memory_space<vmem_shared>>
      %dma_wait3A_774 = tpu.memref_squeeze %dma_wait3A_773 : memref<1x640xf32, #tpu.memory_space<vmem_shared>> -> memref<640xf32, #tpu.memory_space<vmem_shared>>
      tpu.wait_dma2 semaphore(%arg17 : memref<!tpu.dma_semaphore, #tpu.memory_space<semaphore_mem>>) src(%dma_wait3A_774 : memref<640xf32, #tpu.memory_space<vmem_shared>>) dst(%arg12 : memref<640xf32, #tpu.memory_space<vmem>>)
      %parallel_loop3A_775 = arith.constant 0 : i32
      %parallel_loop3A_776 = arith.constant 40 : i32
      %parallel_loop3A_777 = arith.constant 1 : i32
      scf.for %parallel_loop3A_779 = %parallel_loop3A_775 to %parallel_loop3A_776 step %parallel_loop3A_777  : i32 {
        %parallel_loop3A_780 = arith.constant 16 : i32
        %parallel_loop3A_781 = arith.muli %parallel_loop3A_779, %parallel_loop3A_780 : i32
        %parallel_loop3A_782 = arith.index_cast %parallel_loop3A_781 : i32 to index
        %parallel_loop3A_783 = tpu.vector_load %arg13[%parallel_loop3A_782] {strides = array<i32>} : memref<640xf32, #tpu.memory_space<vmem>>, vector<16xf32>,
        %parallel_loop3A_784 = arith.index_cast %parallel_loop3A_781 : i32 to index
        %parallel_loop3A_785 = tpu.vector_load %arg12[%parallel_loop3A_784] {strides = array<i32>} : memref<640xf32, #tpu.memory_space<vmem>>, vector<16xf32>,
        %parallel_loop3A_786 = arith.addf %parallel_loop3A_783, %parallel_loop3A_785 : vector<16xf32>
        %parallel_loop3A_787 = arith.index_cast %parallel_loop3A_781 : i32 to index
        %parallel_loop3A_788 = tpu.vector_load %arg13[%parallel_loop3A_787] {strides = array<i32>} : memref<640xf32, #tpu.memory_space<vmem>>, vector<16xf32>,
        tpu.vector_store %arg13[%parallel_loop3A_787], %parallel_loop3A_786 {strides = array<i32>} : memref<640xf32, #tpu.memory_space<vmem>>, vector<16xf32>,
      } {sc.loop_unroll_factor = 4 : i64, sc.parallel_access}
      %scan3A_778 = arith.constant 0 : i32
      scf.yield %scan3A_778 : i32
    }
    %scan3A_723 = arith.constant 7 : i32
    %dma_wait3A_724 = arith.constant 15 : i32
    %dma_wait3A_725 = tpu.memref_slice %arg14[%dma_wait3A_724, %mul3A_0] : memref<16x10240xf32, #tpu.memory_space<vmem_shared>> -> memref<1x640xf32, #tpu.memory_space<vmem_shared>>
    %dma_wait3A_726 = tpu.memref_squeeze %dma_wait3A_725 : memref<1x640xf32, #tpu.memory_space<vmem_shared>> -> memref<640xf32, #tpu.memory_space<vmem_shared>>
    %dma_wait3A_727 = tpu.memref_slice %arg14[%dma_wait3A_724, %mul3A_0] : memref<16x10240xf32, #tpu.memory_space<vmem_shared>> -> memref<1x640xf32, #tpu.memory_space<vmem_shared>>
    %dma_wait3A_728 = tpu.memref_squeeze %dma_wait3A_727 : memref<1x640xf32, #tpu.memory_space<vmem_shared>> -> memref<640xf32, #tpu.memory_space<vmem_shared>>
    tpu.wait_dma2 semaphore(%arg16 : memref<!tpu.dma_semaphore, #tpu.memory_space<semaphore_mem>>) src(%dma_wait3A_728 : memref<640xf32, #tpu.memory_space<vmem_shared>>) dst(%arg11 : memref<640xf32, #tpu.memory_space<vmem>>)
    %parallel_loop3A_729 = arith.constant 0 : i32
    %parallel_loop3A_730 = arith.constant 40 : i32
    %parallel_loop3A_731 = arith.constant 1 : i32
    scf.for %parallel_loop3A_744 = %parallel_loop3A_729 to %parallel_loop3A_730 step %parallel_loop3A_731  : i32 {
      %parallel_loop3A_745 = arith.constant 16 : i32
      %parallel_loop3A_746 = arith.muli %parallel_loop3A_744, %parallel_loop3A_745 : i32
      %parallel_loop3A_747 = arith.index_cast %parallel_loop3A_746 : i32 to index
      %parallel_loop3A_748 = tpu.vector_load %arg13[%parallel_loop3A_747] {strides = array<i32>} : memref<640xf32, #tpu.memory_space<vmem>>, vector<16xf32>,
      %parallel_loop3A_749 = arith.index_cast %parallel_loop3A_746 : i32 to index
      %parallel_loop3A_750 = tpu.vector_load %arg11[%parallel_loop3A_749] {strides = array<i32>} : memref<640xf32, #tpu.memory_space<vmem>>, vector<16xf32>,
      %parallel_loop3A_751 = arith.addf %parallel_loop3A_748, %parallel_loop3A_750 : vector<16xf32>
      %parallel_loop3A_752 = arith.index_cast %parallel_loop3A_746 : i32 to index
      %parallel_loop3A_753 = tpu.vector_load %arg13[%parallel_loop3A_752] {strides = array<i32>} : memref<640xf32, #tpu.memory_space<vmem>>, vector<16xf32>,
      tpu.vector_store %arg13[%parallel_loop3A_752], %parallel_loop3A_751 {strides = array<i32>} : memref<640xf32, #tpu.memory_space<vmem>>, vector<16xf32>,
    } {sc.loop_unroll_factor = 4 : i64, sc.parallel_access}
    %parallel_loop3A_732 = arith.constant 0 : i32
    %parallel_loop3A_733 = arith.constant 40 : i32
    %parallel_loop3A_734 = arith.constant 1 : i32
    scf.for %parallel_loop3A_744 = %parallel_loop3A_732 to %parallel_loop3A_733 step %parallel_loop3A_734  : i32 {
      %parallel_loop3A_745 = arith.constant 16 : i32
      %parallel_loop3A_746 = arith.muli %parallel_loop3A_744, %parallel_loop3A_745 : i32
      %parallel_loop3A_747 = arith.index_cast %parallel_loop3A_746 : i32 to index
      %parallel_loop3A_748 = tpu.vector_load %arg13[%parallel_loop3A_747] {strides = array<i32>} : memref<640xf32, #tpu.memory_space<vmem>>, vector<16xf32>,
      %parallel_loop3A_749 = arith.index_cast %parallel_loop3A_746 : i32 to index
      %parallel_loop3A_750 = tpu.vector_load %arg8[%parallel_loop3A_749] {strides = array<i32>} : memref<640xf32, #tpu.memory_space<vmem>>, vector<16xf32>,
      %parallel_loop3A_751 = arith.constant 2.000000e+00 : f32
      %parallel_loop3A_752 = vector.broadcast %parallel_loop3A_751 : f32 to vector<16xf32>
      %parallel_loop3A_753 = arith.mulf %parallel_loop3A_752, %parallel_loop3A_750 : vector<16xf32>
      %parallel_loop3A_754 = arith.subf %parallel_loop3A_748, %parallel_loop3A_753 : vector<16xf32>
      %parallel_loop3A_755 = arith.constant 1.000000e+02 : f32
      %parallel_loop3A_756 = vector.broadcast %parallel_loop3A_755 : f32 to vector<16xf32>
      %parallel_loop3A_757 = arith.mulf %parallel_loop3A_754, %parallel_loop3A_756 : vector<16xf32>
      %parallel_loop3A_758 = arith.index_cast %parallel_loop3A_746 : i32 to index
      %parallel_loop3A_759 = tpu.vector_load %arg13[%parallel_loop3A_758] {strides = array<i32>} : memref<640xf32, #tpu.memory_space<vmem>>, vector<16xf32>,
      tpu.vector_store %arg13[%parallel_loop3A_758], %parallel_loop3A_757 {strides = array<i32>} : memref<640xf32, #tpu.memory_space<vmem>>, vector<16xf32>,
    } {sc.loop_unroll_factor = 4 : i64, sc.parallel_access}
    %lt3A_735 = arith.constant 15 : i32
    %lt3A_736 = arith.cmpi slt, %arg1, %lt3A_735 : i32
    %convert_element_type3A_737 = arith.extui %lt3A_736 : i1 to i32
    %cond3A_738 = arith.constant 0 : i32
    %cond3A_739 = arith.cmpi ne, %convert_element_type3A_737, %cond3A_738 : i32
    scf.if %cond3A_739 {
      "tpu.region"() ({
        %run_scoped3A_744 = tpu.sem_alloc : memref<!tpu.dma_semaphore, #tpu.memory_space<semaphore_mem>>
        %dma_start3A_745 = tpu.memref_slice %arg4[%mul3A_0] : memref<10000xf32, #tpu.memory_space<hbm>> -> memref<640xf32, #tpu.memory_space<hbm>>
        %dma_start3A_746 = tpu.memref_slice %arg4[%mul3A_0] : memref<10000xf32, #tpu.memory_space<hbm>> -> memref<640xf32, #tpu.memory_space<hbm>>
        tpu.enqueue_dma source(%arg13 : memref<640xf32, #tpu.memory_space<vmem>>) target(%dma_start3A_746 : memref<640xf32, #tpu.memory_space<hbm>>) target_semaphore(%run_scoped3A_744 : memref<!tpu.dma_semaphore, #tpu.memory_space<semaphore_mem>>)
        %dma_wait3A_747 = tpu.memref_slice %arg4[%mul3A_0] : memref<10000xf32, #tpu.memory_space<hbm>> -> memref<640xf32, #tpu.memory_space<hbm>>
        %dma_wait3A_748 = tpu.memref_slice %arg4[%mul3A_0] : memref<10000xf32, #tpu.memory_space<hbm>> -> memref<640xf32, #tpu.memory_space<hbm>>
        tpu.wait_dma2 semaphore(%run_scoped3A_744 : memref<!tpu.dma_semaphore, #tpu.memory_space<semaphore_mem>>) src(%arg13 : memref<640xf32, #tpu.memory_space<vmem>>) dst(%dma_wait3A_748 : memref<640xf32, #tpu.memory_space<hbm>>)
        tpu.yield
      }) : () -> ()
    } else {
    }
    %eq3A = arith.constant 15 : i32
    %eq3A_740 = arith.cmpi eq, %arg1, %eq3A : i32
    %convert_element_type3A_741 = arith.extui %eq3A_740 : i1 to i32
    %cond3A_742 = arith.constant 0 : i32
    %cond3A_743 = arith.cmpi ne, %convert_element_type3A_741, %cond3A_742 : i32
    scf.if %cond3A_743 {
      "tpu.region"() ({
        %run_scoped3A_744 = tpu.sem_alloc : memref<!tpu.dma_semaphore, #tpu.memory_space<semaphore_mem>>
        %dma_start3A_745 = arith.constant 0 : i32
        %dma_start3A_746 = tpu.memref_slice %arg13[%dma_start3A_745] : memref<640xf32, #tpu.memory_space<vmem>> -> memref<400xf32, #tpu.memory_space<vmem>>
        %dma_start3A_747 = arith.constant 9600 : i32
        %dma_start3A_748 = tpu.memref_slice %arg4[%dma_start3A_747] : memref<10000xf32, #tpu.memory_space<hbm>> -> memref<400xf32, #tpu.memory_space<hbm>>
        %dma_start3A_749 = arith.constant 9600 : i32
        %dma_start3A_750 = tpu.memref_slice %arg4[%dma_start3A_749] : memref<10000xf32, #tpu.memory_space<hbm>> -> memref<400xf32, #tpu.memory_space<hbm>>
        %dma_start3A_751 = arith.constant 0 : i32
        %dma_start3A_752 = tpu.memref_slice %arg13[%dma_start3A_751] : memref<640xf32, #tpu.memory_space<vmem>> -> memref<400xf32, #tpu.memory_space<vmem>>
        tpu.enqueue_dma source(%dma_start3A_752 : memref<400xf32, #tpu.memory_space<vmem>>) target(%dma_start3A_750 : memref<400xf32, #tpu.memory_space<hbm>>) target_semaphore(%run_scoped3A_744 : memref<!tpu.dma_semaphore, #tpu.memory_space<semaphore_mem>>)
        %dma_wait3A_753 = arith.constant 0 : i32
        %dma_wait3A_754 = tpu.memref_slice %arg13[%dma_wait3A_753] : memref<640xf32, #tpu.memory_space<vmem>> -> memref<400xf32, #tpu.memory_space<vmem>>
        %dma_wait3A_755 = arith.constant 9600 : i32
        %dma_wait3A_756 = tpu.memref_slice %arg4[%dma_wait3A_755] : memref<10000xf32, #tpu.memory_space<hbm>> -> memref<400xf32, #tpu.memory_space<hbm>>
        %dma_wait3A_757 = arith.constant 9600 : i32
        %dma_wait3A_758 = tpu.memref_slice %arg4[%dma_wait3A_757] : memref<10000xf32, #tpu.memory_space<hbm>> -> memref<400xf32, #tpu.memory_space<hbm>>
        %dma_wait3A_759 = arith.constant 0 : i32
        %dma_wait3A_760 = tpu.memref_slice %arg13[%dma_wait3A_759] : memref<640xf32, #tpu.memory_space<vmem>> -> memref<400xf32, #tpu.memory_space<vmem>>
        tpu.wait_dma2 semaphore(%run_scoped3A_744 : memref<!tpu.dma_semaphore, #tpu.memory_space<semaphore_mem>>) src(%dma_wait3A_760 : memref<400xf32, #tpu.memory_space<vmem>>) dst(%dma_wait3A_758 : memref<400xf32, #tpu.memory_space<hbm>>)
        tpu.yield
      }) : () -> ()
    } else {
    }
    return
  }
}

</mosaic_0001>

<sc_bundles>
// kernel: _sc_scatter.3.cloned.1.call-start
scs
__scs_entry_jumppad:
0x0: {  	(pc) =	sbr.rel $0x88, $3  }
0x1: {  	(tag) =	ssettag $0x0;
	lr =	simm.s32 $0x1  }
0x2: {  	[smem:$0x3F9F] =	sst lr;
	_ =	strace $0xD0000000  }
0x3: {  	_ = 	snop  }
0x4: {  	_ = 	snop  }
0x5: {  	_ = 	snop  }
0x6: {  	_ = 	snop  }
0x7: {  	_ = 	snop  }
__scs_overlays_trampoline_lowered:
0x8: {  	[smem:$0x3FAE] =	sst s0  }
0x9: {  	[smem:$0x3FAF] =	sst s1  }
0xa: {  	[smem:$0x3FB0] =	sst s2  }
0xb: {  	[smem:$0x3FB1] =	sst s3  }
0xc: {  	[smem:$0x3FB2] =	sst s4  }
0xd: {  	[smem:$0x3FB3] =	sst s5  }
0xe: {  	[smem:$0x3FB4] =	sst s6  }
0xf: {  	[smem:$0x3FB5] =	sst s7  }
0x10: {  	[smem:$0x3FB6] =	sst s8  }
0x11: {  	[smem:$0x3FB7] =	sst s9;
	s0 =	simm.s32 @!p0 $0x0  }
0x12: {  	s1 =	sld [smem:$0x3F9D];
	s0 =	simm.s32 @p0 $0x1  }
0x13: {  	[smem:$0x3FB8] =	sst s0;
	s0 =	simm.s32 @!p1 $0x0  }
0x14: {  	s2 =	sld [smem:$0x3F9C];
	s0 =	simm.s32 @p1 $0x1  }
0x15: {  	[smem:$0x3FB9] =	sst s0;
	s0 =	simm.s32 @!p2 $0x0  }
0x16: {  	s3 =	sld [smem:$0x3FDB];
	s0 =	simm.s32 @p2 $0x1  }
0x17: {  	s4 =	simm.s32 $0x1BF5;
	[smem:$0x3FBB] =	sst s0  }
0x18: {  	s0 =	sld [smem:$0x3F9E];
	_ =	swait.ge [sflag:s4], $0x0  }
0x19: {  	s7 =	sld [smem:$0x3F9F]  }
0x1a: {  	s8 =	sadd.s32 $0xFFFFE003, lr  }
0x1b: {  	s9 =	sadd.s32 $0xFFFFFEF7, lr;
	s5 =	simm.s32 $0xFFFFFFFF;
	p2 =	slt.u32 s8, $0xFFFFF086  }
0x1c: {  	p1 =	slt.u32 s9, $0xF7A;
	s5 =	simm.s32 @!p2 $0x0  }
0x1d: {  	s5 =	simm.s32 @p1 $0x1;
	p0 =	seq.s32 s7, s2  }
0x1e: {  	s7 =	smul.u32 @!p0 $0xF7A, s2;
	p2 =	seq.s32 @!p0 s5, $0x0  }
0x1f: {  	s9 =	smul.u32 $0xF7A, s1;
	s8 =	simm.s32 @!p0 $0x1BF5;
	p2 =	por !p2, p0  }
0x20: {  	[sflag:s8] =	ssyncset.s32 @!p0 $0xFFFFF086;
	s6 =	sadd.s32 @!p0 s3, s7;
	s7 =	simm.s32 @!p0 $0x108  }
0x21: {  	s3 =	sadd.s32 s3, s9;
	s6 =	sadd.s32 @!p0 $0x88, s6;
	s7 =	simm.s32 @p2 $0x1082  }
0x22: {  	[simem:s7], [sflag:s8] =	dma.local @!p0 [hbm:s6], $0xF7A  }
0x23: {  	s9 =	sor.u32 $0xD0000000, s2;
	s6 =	simm.s32 $0x108;
	_ =	swait.ge @!p0 [sflag:s8], $0x0  }
0x24: {  	s3 =	sadd.s32 $0x88, s3;
	s6 =	simm.s32 @!p1 $0x1082;
	[sflag:s4] =	ssyncset.s32 $0xFFFFF086  }
0x25: {  	[simem:s6], [sflag:s4] =	dma.local [hbm:s3], $0xF7A  }
0x26: {  	[smem:$0x3F9F] =	sst s1;
	(tag) =	ssettag s2;
	_ =	strace s9  }
0x27: {  	s1 =	sld [smem:$0x3FAF]  }
0x28: {  	s2 =	sld [smem:$0x3FB0]  }
0x29: {  	s4 =	sld [smem:$0x3FB2]  }
0x2a: {  	p0 =	seq.s32 s5, $0x0;
	s5 =	sld [smem:$0x3FB3]  }
0x2b: {  	s6 =	sld [smem:$0x3FB4]  }
0x2c: {  	s7 =	sld [smem:$0x3FB5]  }
0x2d: {  	s3 =	simm.s32 $0x108;
	s8 =	sld [smem:$0x3FB6]  }
0x2e: {  	s3 =	simm.s32 @!p0 $0x1082;
	s9 =	sld [smem:$0x3FB7]  }
0x2f: {  	lr =	sadd.s32 s0, s3;
	s0 =	sld [smem:$0x3FAE]  }
0x30: {  	s3 =	sld [smem:$0x3FB1]  }
0x31: {  	[smem:$0x3FBA] =	sst s10  }
0x32: {  	s10 =	sld [smem:$0x3FB8];
	_ =	sdelay $0x3  }
0x33: {  	p0 =	seq.s32 s10, $0x1;
	s10 =	sld [smem:$0x3FBA];
	_ =	sdelay $0x3  }
0x34: {  	[smem:$0x3FBA] =	sst s10  }
0x35: {  	s10 =	sld [smem:$0x3FB9];
	_ =	sdelay $0x3  }
0x36: {  	p1 =	seq.s32 s10, $0x1;
	s10 =	sld [smem:$0x3FBA];
	_ =	sdelay $0x3  }
0x37: {  	[smem:$0x3FBA] =	sst s10  }
0x38: {  	s10 =	sld [smem:$0x3FBB]  }
0x39: {  	_ = 	snop;
	(pc) =	sbr.ind lr, $3  }
0x3a: {  	_ = 	snop  }
0x3b: {  	_ = 	snop  }
0x3c: {  	p2 =	seq.s32 s10, $0x1;
	s10 =	sld [smem:$0x3FBA]  }
0x3d: {  	_ =	shalt  }
0x3e: {  	_ =	shalt  }
0x3f: {  	_ =	shalt  }
0x40: {  	_ =	shalt  }
0x41: {  	_ =	shalt  }
0x42: {  	_ =	shalt  }
0x43: {  	_ =	shalt  }
0x44: {  	_ =	shalt  }
0x45: {  	_ =	shalt  }
0x46: {  	_ =	shalt  }
0x47: {  	_ =	shalt  }
0x48: {  	_ =	shalt  }
0x49: {  	_ =	shalt  }
0x4a: {  	_ =	shalt  }
0x4b: {  	_ =	shalt  }
0x4c: {  	_ =	shalt  }
0x4d: {  	_ =	shalt  }
0x4e: {  	_ =	shalt  }
0x4f: {  	_ =	shalt  }
0x50: {  	_ =	shalt  }
0x51: {  	_ =	shalt  }
0x52: {  	_ =	shalt  }
0x53: {  	_ =	shalt  }
0x54: {  	_ =	shalt  }
0x55: {  	_ =	shalt  }
0x56: {  	_ =	shalt  }
0x57: {  	_ =	shalt  }
0x58: {  	_ =	shalt  }
0x59: {  	_ =	shalt  }
0x5a: {  	_ =	shalt  }
0x5b: {  	_ =	shalt  }
0x5c: {  	_ =	shalt  }
0x5d: {  	_ =	shalt  }
0x5e: {  	_ =	shalt  }
0x5f: {  	_ =	shalt  }
0x60: {  	_ =	shalt  }
0x61: {  	_ =	shalt  }
0x62: {  	_ =	shalt  }
0x63: {  	_ =	shalt  }
0x64: {  	_ =	shalt  }
0x65: {  	_ =	shalt  }
0x66: {  	_ =	shalt  }
0x67: {  	_ =	shalt  }
0x68: {  	_ =	shalt  }
0x69: {  	_ =	shalt  }
0x6a: {  	_ =	shalt  }
0x6b: {  	_ =	shalt  }
0x6c: {  	_ =	shalt  }
0x6d: {  	_ =	shalt  }
0x6e: {  	_ =	shalt  }
0x6f: {  	_ =	shalt  }
0x70: {  	_ =	shalt  }
0x71: {  	_ =	shalt  }
0x72: {  	_ =	shalt  }
0x73: {  	_ =	shalt  }
0x74: {  	_ =	shalt  }
0x75: {  	_ =	shalt  }
0x76: {  	_ =	shalt  }
0x77: {  	_ =	shalt  }
0x78: {  	_ =	shalt  }
0x79: {  	_ =	shalt  }
0x7a: {  	_ =	shalt  }
0x7b: {  	_ =	shalt  }
0x7c: {  	_ =	shalt  }
0x7d: {  	_ =	shalt  }
0x7e: {  	_ =	shalt  }
0x7f: {  	_ =	shalt  }
0x80: {  	_ =	shalt  }
0x81: {  	_ =	shalt  }
0x82: {  	_ =	shalt  }
0x83: {  	_ =	shalt  }
0x84: {  	_ =	shalt  }
0x85: {  	_ =	shalt  }
0x86: {  	_ =	shalt  }
0x87: {  	_ =	shalt  }
.Lfunc_end0:
.L_simem_size_0:
called_computation_lowered:
.L_overlay_start_0:
0x88: {  	s0 =	sld [smem:$0x3FD9]  }
0x89: {  	s1 =	sld [smem:$0x3FFE];
	_ =	sdelay $0x3  }
0x8a: {  	s0 =	sadd.s32 s1, s0  }
0x8b: {  	[smem:$0x3FC6] =	sst s0  }
0x8c: {  	_ = 	snop  }
0x8d: {  	s0 =	sld [smem:$0x3FC9]  }
0x8e: {  	s17 =	sld [smem:$0x3FC8]  }
0x8f: {  	s2 =	sld [smem:$0x3FD0];
	(tm) =	ssettm $0x1  }
0x90: {  	s3 =	sld [smem:$0x3FFB];
	_ =	sdelay $0x3  }
0x91: {  	_ =	strace s3  }
0x92: {  	s3 =	sld [smem:$0x3FFC];
	_ =	sdelay $0x3  }
0x93: {  	_ =	strace s3  }
0x94: {  	s3 =	sld [smem:$0x3FFD];
	_ =	sdelay $0x3  }
0x95: {  	_ =	strace s3  }
0x96: {  	_ =	strace $0x8FFFFFFF  }
0x97: {  	s18 =	sld [smem:$0x3FDB];
	_ =	sdelay $0x1  }
0x98: {  	s4 =	simm.s32 $_scs_section_size  }
0x99: {  	s5 =	simm.s32 $_size__tile_overlayer_lowered;
	s6 =	simm.s32 $_tile_overlayer_lowered  }
0x9a: {  	s21 =	simm.s32 $0x1BFF;
	s20 =	sshll.u32 s6, $0x1;
	s3 =	sadd.s32 s4, s18  }
0x9b: {  	s7 =	simm.s32 $0x0;
	s19 =	sshll.u32 s5, $0x1;
	s5 =	sadd.s32 s20, s3  }
0x9c: {  	[timem:s7], [sflag:s21] =	dma.local [hbm:s5], s19  }
0x9d: {  	_ =	swait.ge [sflag:s21], s19  }
0x9e: {  	s4 =	ssub.s32 $0x0, s19;
	[sflag:s21] =	ssyncset.done $0x0  }
0x9f: {  	[sflag:s21] =	ssyncadd.s32 s4;
	_ =	sdelay $0x1  }
0xa0: {  	s22 =	simm.s32 $0x1B8B  }
0xa1: {  	_ =	swait.ge [sflag:s22], $0x1  }
0xa2: {  	[sflag:s22] =	ssyncset.done $0x0  }
0xa3: {  	s23 =	simm.s32 $0x1B8E;
	[sflag:s22] =	ssyncadd.s32 $0xFFFFFFFF  }
0xa4: {  	s24 =	simm.s32 $execute0_lowered;
	[smem:$0x3FD2] =	sst s23  }
0xa5: {  	s4 =	sshll.u32 s24, $0x1;
	_ =	strace $0x80000046;
	[dreg:$0x1] =	wrdreg $0xFFFFFFFF  }
0xa6: {  	s25 =	simm.s32 $_size_execute0_lowered;
	s3 =	sadd.s32 s3, s4;
	[dreg:$0x0] =	wrdreg $0x0  }
0xa7: {  	s4 =	sshll.u32 s25, $0x1;
	[dreg:$0x2] =	wrdreg s3  }
0xa8: {  	[dreg:$0x3] =	wrdreg s4  }
0xa9: {  	[dreg:$0x4] =	wrdreg $0xC0  }
0xaa: {  	_ =	task [dreg:s7], $0x5FFFF  }
0xab: {  	[dreg:$0x1] =	wrdreg $0xFFFFFFFF  }
0xac: {  	[dreg:$0x0] =	wrdreg $0x60  }
0xad: {  	[dreg:$0x2] =	wrdreg s0  }
0xae: {  	[dreg:$0x3] =	wrdreg s17  }
0xaf: {  	[dreg:$0x4] =	wrdreg s2  }
0xb0: {  	[dreg:$0x5] =	wrdreg $0x0  }
0xb1: {  	[dreg:$0x6] =	wrdreg $0xFD800  }
0xb2: {  	[dreg:$0x7] =	wrdreg $0x9  }
0xb3: {  	_ =	task.clear_ibuf [dreg:s7], $0x8FFFF;
	_ =	strace $0x90000046  }
0xb4: {  	s26 =	simm.s32 $0x9;
	_ =	strace $0x80000048  }
0xb5: {  	_ =	swait.ge [sflag:s26], $0x1  }
0xb6: {  	[sflag:s26] =	ssyncadd.s32 $0xFFFFFFFF  }
0xb7: {  	_ =	strace $0x90000048  }
0xb8: {  	_ =	sfence  }
0xb9: {  	s28 =	sld [smem:$0x0];
	_ =	sdelay $0x1  }
0xba: {  	s29 =	srdreg.scid  }
0xbb: {  	s30 =	sshll.u32 s29, $0xD;
	s31 =	sshrl.u32 s29, $0x2  }
0xbc: {  	s1 =	sand.u32 $0x1, s29;
	s2 =	sand.u32 $0x4000, s30;
	s0 =	sadd.s32 s31, s28  }
0xbd: {  	s1 =	sor.u32 s2, s1;
	s0 =	sshll.u32 s0, $0x11  }
0xbe: {  	s0 =	sor.u32 s0, s1  }
0xbf: {  	s0 =	sadd.s32 $0x8F2B, s0  }
0xc0: {  	[sflag:s0] =	ssyncadd.remote.s32 $0x1  }
0xc1: {  	_ =	sfence.sel $0xFFFF  }
0xc2: {  	[dreg:$0x0] =	wrdreg $0xFFFFFFFF;
	(pc) =	sbr.abs _section_cstart, $3  }
0xc3: {  	[dreg:$0x1] =	wrdreg $0xFFFFFFFF  }
0xc4: {  	_ =	task.clear_ibuf [dreg:s7], $0x2FFFF;
	_ =	strace $0x9FFFFFFF  }
0xc5: {  	(tm) =	ssettm $0x7FFFFFFF  }
tec
execute0_lowered:
.L_overlay_start_1:
0x0: {  	(tag) =	ssettag $0x1  }
0x1: {  	s6 =	rddreg [dreg:$0x0];
	s0 =	stileid.u32  }
0x2: {  	s5 =	rddreg [dreg:$0x1];
	s2 =	smul.u32 $0x280, s0  }
0x3: {  	s3 =	rddreg [dreg:$0x2];
	v0 =	vlaneseq.u32  }
0x4: {  	s7 =	rddreg [dreg:$0x3];
	v1 =	vor.u32 s2, v0  }
0x5: {  	s9 =	sor.u32 $0x10, s2;
	s13 =	sor.u32 $0x20, s2;
	s14 =	sor.u32 $0x30, s2;
	v1 =	vmin.u32 v1, $0x270F  }
0x6: {  	s15 =	sor.u32 $0x40, s2;
	s16 =	sor.u32 $0x50, s2;
	s17 =	sor.u32 $0x60, s2;
	v2 =	vor.u32 s9, v0;
	v3 =	vor.u32 s13, v0;
	v4 =	vor.u32 s14, v0  }
0x7: {  	s18 =	sor.u32 $0x70, s2;
	s19 =	sadd.s32 $0x80, s2;
	s20 =	sadd.s32 $0x90, s2;
	v29 =	vor.u32 s15, v0;
	v30 =	vor.u32 s16, v0;
	v31 =	vor.u32 s17, v0  }
0x8: {  	s21 =	sadd.s32 $0xA0, s2;
	s22 =	sadd.s32 $0xB0, s2;
	s23 =	sadd.s32 $0xC0, s2;
	v32 =	vor.u32 s18, v0;
	v33 =	vor.u32 s19, v0;
	v34 =	vor.u32 s20, v0  }
0x9: {  	s24 =	sadd.s32 $0xD0, s2;
	s25 =	sadd.s32 $0xE0, s2;
	s26 =	sadd.s32 $0xF0, s2;
	v35 =	vor.u32 s21, v0;
	v36 =	vor.u32 s22, v0;
	v37 =	vor.u32 s23, v0  }
0xa: {  	s28 =	sadd.s32 $0x100, s2;
	s29 =	sadd.s32 $0x110, s2;
	s30 =	sadd.s32 $0x120, s2;
	v38 =	vor.u32 s24, v0;
	v39 =	vor.u32 s25, v0;
	v40 =	vor.u32 s26, v0  }
0xb: {  	s31 =	sadd.s32 $0x130, s2;
	s10 =	sadd.s32 $0x140, s2;
	s11 =	sadd.s32 $0x150, s2;
	v41 =	vor.u32 s28, v0;
	v42 =	vor.u32 s29, v0;
	v43 =	vor.u32 s30, v0  }
0xc: {  	s4 =	rddreg [dreg:$0x4];
	s12 =	sadd.s32 $0x160, s2;
	v44 =	vor.u32 s31, v0;
	v45 =	vor.u32 s10, v0;
	v46 =	vor.u32 s11, v0  }
0xd: {  	s8 =	simm.s32 $0x0;
	v47 =	vor.u32 s12, v0;
	s13 =	sadd.s32 $0x170, s2;
	s14 =	sadd.s32 $0x180, s2;
	v1 =	vshll.u32 v1, $0x7;
	v2 =	vmin.u32 v2, $0x270F  }
0xe: {  	s15 =	sadd.s32 $0x190, s2;
	s16 =	sadd.s32 $0x1A0, s2;
	s17 =	sadd.s32 $0x1B0, s2;
	v3 =	vmin.u32 v3, $0x270F;
	v48 =	vor.u32 s13, v0;
	v49 =	vor.u32 s14, v0  }
0xf: {  	s18 =	sadd.s32 $0x1C0, s2;
	s19 =	sadd.s32 $0x1D0, s2;
	s20 =	sadd.s32 $0x1E0, s2;
	v50 =	vor.u32 s15, v0;
	v51 =	vor.u32 s16, v0;
	v52 =	vor.u32 s17, v0  }
0x10: {  	s21 =	sadd.s32 $0x1F0, s2;
	s22 =	sadd.s32 $0x200, s2;
	s23 =	sadd.s32 $0x210, s2;
	v53 =	vor.u32 s18, v0;
	v54 =	vor.u32 s19, v0;
	v55 =	vor.u32 s20, v0  }
0x11: {  	s24 =	sadd.s32 $0x220, s2;
	s25 =	sadd.s32 $0x230, s2;
	s26 =	sadd.s32 $0x240, s2;
	v56 =	vor.u32 s21, v0;
	v57 =	vor.u32 s22, v0;
	v58 =	vor.u32 s23, v0  }
0x12: {  	[smem:$0x7FF] =	sst s8;
	s28 =	sadd.s32 $0x250, s2;
	s29 =	sadd.s32 $0x260, s2;
	v59 =	vor.u32 s24, v0;
	v60 =	vor.u32 s25, v0;
	v61 =	vor.u32 s26, v0  }
0x13: {  	s1 =	rddreg [dreg:$0x5];
	_ =	strace $0x80000047;
	s30 =	sadd.s32 $0x270, s2;
	v62 =	vor.u32 s28, v0;
	v63 =	vor.u32 s29, v0;
	v2 =	vshll.u32 v2, $0x7;
	[tilespmem:$0x2A80] =	vst v1  }
0x14: {  	v0 =	vor.u32 s30, v0;
	v1 =	vshll.u32 v3, $0x7;
	v3 =	vmin.u32 v4, $0x270F;
	[tilespmem:$0x2A90] =	vst v2  }
0x15: {  	v0 =	vmin.u32 v0, $0x270F;
	v2 =	vshll.u32 v3, $0x7;
	[tilespmem:$0x2AA0] =	vst v1  }
0x16: {  	v3 =	vmin.u32 v29, $0x270F;
	v0 =	vshll.u32 v0, $0x7;
	[tilespmem:$0x2AB0] =	vst v2  }
0x17: {  	v1 =	vshll.u32 v3, $0x7;
	v3 =	vmin.u32 v30, $0x270F;
	[tilespmem:$0x2CF0] =	vst v0  }
0x18: {  	v2 =	vshll.u32 v3, $0x7;
	v3 =	vmin.u32 v31, $0x270F;
	[tilespmem:$0x2AC0] =	vst v1  }
0x19: {  	v1 =	vshll.u32 v3, $0x7;
	v3 =	vmin.u32 v32, $0x270F;
	[tilespmem:$0x2AD0] =	vst v2  }
0x1a: {  	v2 =	vshll.u32 v3, $0x7;
	v3 =	vmin.u32 v33, $0x270F;
	[tilespmem:$0x2AE0] =	vst v1  }
0x1b: {  	v1 =	vshll.u32 v3, $0x7;
	v3 =	vmin.u32 v34, $0x270F;
	[tilespmem:$0x2AF0] =	vst v2  }
0x1c: {  	v2 =	vshll.u32 v3, $0x7;
	v3 =	vmin.u32 v35, $0x270F;
	[tilespmem:$0x2B00] =	vst v1  }
0x1d: {  	v1 =	vshll.u32 v3, $0x7;
	v3 =	vmin.u32 v36, $0x270F;
	[tilespmem:$0x2B10] =	vst v2  }
0x1e: {  	v2 =	vshll.u32 v3, $0x7;
	v3 =	vmin.u32 v37, $0x270F;
	[tilespmem:$0x2B20] =	vst v1  }
0x1f: {  	v1 =	vshll.u32 v3, $0x7;
	v3 =	vmin.u32 v38, $0x270F;
	[tilespmem:$0x2B30] =	vst v2  }
0x20: {  	v2 =	vshll.u32 v3, $0x7;
	v3 =	vmin.u32 v39, $0x270F;
	[tilespmem:$0x2B40] =	vst v1  }
0x21: {  	v1 =	vshll.u32 v3, $0x7;
	v3 =	vmin.u32 v40, $0x270F;
	[tilespmem:$0x2B50] =	vst v2  }
0x22: {  	v2 =	vshll.u32 v3, $0x7;
	v3 =	vmin.u32 v41, $0x270F;
	[tilespmem:$0x2B60] =	vst v1  }
0x23: {  	v1 =	vshll.u32 v3, $0x7;
	v3 =	vmin.u32 v42, $0x270F;
	[tilespmem:$0x2B70] =	vst v2  }
0x24: {  	v2 =	vshll.u32 v3, $0x7;
	v3 =	vmin.u32 v43, $0x270F;
	[tilespmem:$0x2B80] =	vst v1  }
0x25: {  	v1 =	vshll.u32 v3, $0x7;
	v3 =	vmin.u32 v44, $0x270F;
	[tilespmem:$0x2B90] =	vst v2  }
0x26: {  	v2 =	vshll.u32 v3, $0x7;
	v3 =	vmin.u32 v45, $0x270F;
	[tilespmem:$0x2BA0] =	vst v1  }
0x27: {  	v1 =	vshll.u32 v3, $0x7;
	v3 =	vmin.u32 v46, $0x270F;
	[tilespmem:$0x2BB0] =	vst v2  }
0x28: {  	v2 =	vshll.u32 v3, $0x7;
	v3 =	vmin.u32 v47, $0x270F;
	[tilespmem:$0x2BC0] =	vst v1  }
0x29: {  	v1 =	vshll.u32 v3, $0x7;
	v3 =	vmin.u32 v48, $0x270F;
	[tilespmem:$0x2BD0] =	vst v2  }
0x2a: {  	v2 =	vshll.u32 v3, $0x7;
	v3 =	vmin.u32 v49, $0x270F;
	[tilespmem:$0x2BE0] =	vst v1  }
0x2b: {  	v1 =	vshll.u32 v3, $0x7;
	v3 =	vmin.u32 v50, $0x270F;
	[tilespmem:$0x2BF0] =	vst v2  }
0x2c: {  	v2 =	vshll.u32 v3, $0x7;
	v3 =	vmin.u32 v51, $0x270F;
	[tilespmem:$0x2C00] =	vst v1  }
0x2d: {  	v1 =	vshll.u32 v3, $0x7;
	v3 =	vmin.u32 v52, $0x270F;
	[tilespmem:$0x2C10] =	vst v2  }
0x2e: {  	v2 =	vshll.u32 v3, $0x7;
	v3 =	vmin.u32 v53, $0x270F;
	[tilespmem:$0x2C20] =	vst v1  }
0x2f: {  	v1 =	vshll.u32 v3, $0x7;
	v3 =	vmin.u32 v54, $0x270F;
	[tilespmem:$0x2C30] =	vst v2  }
0x30: {  	v2 =	vshll.u32 v3, $0x7;
	v3 =	vmin.u32 v55, $0x270F;
	[tilespmem:$0x2C40] =	vst v1  }
0x31: {  	v1 =	vshll.u32 v3, $0x7;
	v3 =	vmin.u32 v56, $0x270F;
	[tilespmem:$0x2C50] =	vst v2  }
0x32: {  	v2 =	vshll.u32 v3, $0x7;
	v3 =	vmin.u32 v57, $0x270F;
	[tilespmem:$0x2C60] =	vst v1  }
0x33: {  	v1 =	vshll.u32 v3, $0x7;
	v3 =	vmin.u32 v58, $0x270F;
	[tilespmem:$0x2C70] =	vst v2  }
0x34: {  	v2 =	vshll.u32 v3, $0x7;
	v3 =	vmin.u32 v59, $0x270F;
	[tilespmem:$0x2C80] =	vst v1  }
0x35: {  	v1 =	vshll.u32 v3, $0x7;
	v3 =	vmin.u32 v60, $0x270F;
	[tilespmem:$0x2C90] =	vst v2  }
0x36: {  	v2 =	vshll.u32 v3, $0x7;
	v3 =	vmin.u32 v61, $0x270F;
	[tilespmem:$0x2CA0] =	vst v1  }
0x37: {  	v1 =	vshll.u32 v3, $0x7;
	v3 =	vmin.u32 v62, $0x270F;
	[tilespmem:$0x2CB0] =	vst v2  }
0x38: {  	v2 =	vshll.u32 v3, $0x7;
	v3 =	vmin.u32 v63, $0x270F;
	[tilespmem:$0x2CC0] =	vst v1  }
0x39: {  	p0 =	sgt.u32 s0, $0x3;
	v1 =	vshll.u32 v3, $0x7;
	[tilespmem:$0x2CD0] =	vst v2  }
0x3a: {  	s31 =	simm.s32 $0x80;
	s10 =	simm.s32 $0x2A80;
	s11 =	simm.s32 $0x2E80;
	[tilespmem:$0x2CE0] =	vst v1  }
0x3b: {  	[tilespmem:s11], [sflag:$0x2] =	stream.indirect.gather [hbm4b:s6+s31], $0x1, s10, s31, $0xb8;
	[tilespmem:$0x12580] =	vst v63  }
0x3c: {  	s12 =	simm.s32 $0x2B00;
	s13 =	simm.s32 $0x2F00;
	s14 =	smul.u32 $0x1380, s0  }
0x3d: {  	[tilespmem:s13], [sflag:$0x2] =	stream.indirect.gather [hbm4b:s6+s31], $0x1, s12, s31, $0xb8;
	[tilespmem:$0x12580] =	vst v63  }
0x3e: {  	s15 =	simm.s32 $0x2B80;
	s16 =	smul.u32 $0x9C00, s0;
	s12 =	simm.s32 $0x2F80  }
0x3f: {  	[tilespmem:s12], [sflag:$0x2] =	stream.indirect.gather [hbm4b:s6+s31], $0x1, s15, s31, $0xb8;
	[tilespmem:$0x12580] =	vst v63  }
0x40: {  	s17 =	simm.s32 $0x2C00;
	s18 =	simm.s32 $0x2C80;
	s13 =	simm.s32 $0x3000  }
0x41: {  	[tilespmem:s13], [sflag:$0x2] =	stream.indirect.gather [hbm4b:s6+s31], $0x1, s17, s31, $0xb8;
	[tilespmem:$0x12580] =	vst v63  }
0x42: {  	s19 =	simm.s32 $0x3080;
	s22 =	simm.s32 $0x3100;
	s11 =	sshrl.u32 s16, $0x3  }
0x43: {  	[tilespmem:s19], [sflag:$0x2] =	stream.indirect.gather [hbm4b:s6+s31], $0x1, s18, s31, $0xb8;
	[tilespmem:$0x12580] =	vst v63  }
0x44: {  	s20 =	sadd.s32 s5, s14;
	s21 =	sadd.s32 s5, s11;
	s6 =	sshll.u32 @!p0 s0, $0x5  }
0x45: {  	[tilespmem:s22], [sflag:$0x1] =	stream.linear.gather [hbm4b:s20+s8], $0x4E00, $0x38;
	[tilespmem:$0x12580] =	vst v63  }
0x46: {  	s24 =	simm.s32 $0x7F00;
	s23 =	sadd.s32 $0x9C0, s21;
	s5 =	sadd.s32 @!p0 s6, s5  }
0x47: {  	[tilespmem:s24], [sflag:$0x3] =	stream.linear.gather [hbm4b:s23+s8], $0x4E00, $0x38;
	[tilespmem:$0x12580] =	vst v63  }
0x48: {  	s9 =	simm.s32 @!p0 $0xCD00;
	s6 =	simm.s32 @!p0 $0x0;
	s5 =	sadd.s32 @!p0 $0x13800, s5  }
0x49: {  	[tilespmem:s9], [sflag:$0x1] =	stream.linear.gather @!p0 [hbm4b:s5+s6], $0x100, $0x38;
	[tilespmem:$0x12580] =	vst v63  }
0x4a: {  	s25 =	sshrl.u32 s0, $0x3;
	s28 =	smul.u32 $0x5000, s0;
	s6 =	simm.s32 @!p0 $0x1  }
0x4b: {  	s29 =	sshll.u32 s0, $0x7;
	s26 =	smul.u32 $0x50000, s25;
	_ =	swait.ge @!p0 [sflag:s6], $0x100  }
0x4c: {  	s30 =	sshrl.u32 s28, $0x2;
	s10 =	simm.s32 $0x0;
	[sflag:s6] =	ssyncset.done @!p0 $0x0  }
0x4d: {  	v0 =	vimm.f32 $0.0e+00;
	s31 =	sand.u32 $0x380, s29;
	s9 =	simm.s32 $0xCE20;
	[sflag:s6] =	ssyncadd.s32 @!p0 $0xFFFFFF00  }
0x4e: {  	s8 =	sadd.s32 s2, s7;
	s2 =	sshrl.u32 s2, $0x3;
	s5 =	sshrl.u32 s26, $0x2;
	[tilespmem:s9+$0xFFFFFFE0] =	vst v0  }
0x4f: {  	s2 =	sadd.s32 s3, s2;
	s5 =	sadd.s32 s5, s4;
	s4 =	sadd.s32 s30, s4;
	[tilespmem:s9+$0x10] =	vst v0  }
0x50: {  	s3 =	sadd.s32 $0x4B0, s3;
	s6 =	sadd.s32 s31, s5;
	s5 =	sadd.s32 $0x80, s4;
	[tilespmem:s9+$0x0] =	vst v0  }
.LBB2_1:
0x51: {  	s10 =	sadd.s32 $0x4, s10  }
0x52: {  	[tilespmem:s9+$0xFFFFFFF0] =	vst v0;
	s9 =	sadd.s32 $0x40, s9;
	p1 =	slt.u32 s10, $0x27C  }
.Ltmp0:
0x53: {  	[tilespmem:s9+$0xFFFFFFE0] =	vst v0;
	(pc) =	sbr.rel @p1 .LBB2_1-.Ltmp0, $3  }
0x54: {  	_ =	sdelay $0x1  }
0x55: {  	[tilespmem:s9+$0x10] =	vst v0  }
0x56: {  	[tilespmem:s9+$0x0] =	vst v0  }
0x57: {  	[tilespmem:s9+$0xFFFFFFF0] =	vst v0;
	s29 =	simm.s32 $0x2  }
0x58: {  	_ =	swait.ge [sflag:s29], $0x80  }
0x59: {  	[sflag:s29] =	ssyncset.done $0x0  }
0x5a: {  	[sflag:s29] =	ssyncadd.s32 $0xFFFFFF80  }
0x5b: {  	_ =	swait.ge [sflag:s29], $0x80  }
0x5c: {  	[sflag:s29] =	ssyncset.done $0x0  }
0x5d: {  	[sflag:s29] =	ssyncadd.s32 $0xFFFFFF80  }
0x5e: {  	_ =	swait.ge [sflag:s29], $0x80  }
0x5f: {  	[sflag:s29] =	ssyncset.done $0x0  }
0x60: {  	[sflag:s29] =	ssyncadd.s32 $0xFFFFFF80  }
0x61: {  	_ =	swait.ge [sflag:s29], $0x80  }
0x62: {  	[sflag:s29] =	ssyncset.done $0x0  }
0x63: {  	[sflag:s29] =	ssyncadd.s32 $0xFFFFFF80  }
0x64: {  	_ =	swait.ge [sflag:s29], $0x80  }
0x65: {  	[sflag:s29] =	ssyncset.done $0x0  }
0x66: {  	s10 =	simm.s32 $0x2E80;
	s30 =	simm.s32 $0x4;
	[sflag:s29] =	ssyncadd.s32 $0xFFFFFF80  }
0x67: {  	[spmem:s8] =	stream.linear.scatter [tilespmem:s10], [sflag:$0x4], $0x280, $0x38;
	[tilespmem:$0x12580] =	vst v63  }
0x68: {  	_ =	swait.ge [sflag:s30], $0x280  }
0x69: {  	[sflag:s30] =	ssyncset.done $0x0  }
0x6a: {  	[sflag:s30] =	ssyncadd.s32 $0xFFFFFD80  }
0x6b: {  	s31 =	simm.s32 $0x1;
	s8 =	simm.s32 $0x280;
	[bflag:$0x0] =	sbarrier.arrive $0xFFFF  }
0x6c: {  	[tilespmem:s8], [sflag:$0x2] =	stream.linear.gather [spmem:s7], $0x2800, $0x38;
	[tilespmem:$0x12580] =	vst v63  }
0x6d: {  	_ =	swait.ge [sflag:s31], $0x4E00  }
0x6e: {  	[sflag:s31] =	ssyncset.done $0x0  }
0x6f: {  	[sflag:s31] =	ssyncadd.s32 $0xFFFFB200  }
0x70: {  	_ =	swait.ge [sflag:s29], $0x2800  }
0x71: {  	[sflag:s29] =	ssyncset.done $0x0  }
0x72: {  	s9 =	simm.s32 $0x0;
	[sflag:s29] =	ssyncadd.s32 $0xFFFFD800  }
0x73: {  	v0 =	vld [tilespmem:s9+$0x3100];
	_ =	sdelay $0x4  }
0x74: {  	v1 =	vld [tilespmem:s9+$0x3180];
	_ =	sdelay $0x2  }
0x75: {  	v0 =	vld.idx.msk [tilespmem:v0+s8+$0x0], $0xffff;
	_ =	sdelay $0x3  }
0x76: {  	s7 =	simm.s32 $0xCE00  }
0x77: {  	[tilespmem:v1+s7+$0x0] =	vst.idx.add.f32.msk $0xffff, v0  }
0x78: {  	v0 =	vld [tilespmem:s9+$0x3110];
	_ =	sdelay $0x4  }
0x79: {  	v1 =	vld [tilespmem:s9+$0x3190];
	_ =	sdelay $0x2  }
0x7a: {  	v0 =	vld.idx.msk [tilespmem:v0+s8+$0x0], $0xffff;
	_ =	sdelay $0x4  }
0x7b: {  	[tilespmem:v1+s7+$0x0] =	vst.idx.add.f32.msk $0xffff, v0  }
0x7c: {  	v0 =	vld [tilespmem:s9+$0x3120]  }
0x7d: {  	s10 =	simm.s32 $0x100  }
0x7e: {  	v1 =	vld [tilespmem:s10+$0x3100];
	_ =	sdelay $0x2  }
0x7f: {  	v2 =	vld [tilespmem:s9+$0x31A0];
	_ =	sdelay $0x1  }
0x80: {  	v3 =	vld [tilespmem:s10+$0x3180]  }
0x81: {  	v0 =	vld.idx.msk [tilespmem:v0+s8+$0x0], $0xffff;
	_ =	sdelay $0x1  }
0x82: {  	v1 =	vld.idx.msk [tilespmem:v1+s8+$0x0], $0xffff;
	_ =	sdelay $0x2  }
0x83: {  	[tilespmem:v2+s7+$0x0] =	vst.idx.add.f32.msk $0xffff, v0  }
0x84: {  	v0 =	vld [tilespmem:s9+$0x3130]  }
0x85: {  	[tilespmem:v3+s7+$0x0] =	vst.idx.add.f32.msk $0xffff, v1  }
0x86: {  	v1 =	vld [tilespmem:s10+$0x3110];
	_ =	sdelay $0x2  }
0x87: {  	v2 =	vld [tilespmem:s9+$0x31B0];
	_ =	sdelay $0x1  }
0x88: {  	v3 =	vld [tilespmem:s10+$0x3190]  }
0x89: {  	v0 =	vld.idx.msk [tilespmem:v0+s8+$0x0], $0xffff;
	_ =	sdelay $0x1  }
0x8a: {  	v1 =	vld.idx.msk [tilespmem:v1+s8+$0x0], $0xffff  }
0x8b: {  	s11 =	simm.s32 $0x200  }
0x8c: {  	v4 =	vld [tilespmem:s11+$0x3100]  }
0x8d: {  	[tilespmem:v2+s7+$0x0] =	vst.idx.add.f32.msk $0xffff, v0  }
0x8e: {  	v0 =	vld [tilespmem:s9+$0x3140]  }
0x8f: {  	[tilespmem:v3+s7+$0x0] =	vst.idx.add.f32.msk $0xffff, v1  }
0x90: {  	v1 =	vld [tilespmem:s10+$0x3120];
	_ =	sdelay $0x1  }
0x91: {  	v2 =	vld [tilespmem:s11+$0x3180]  }
0x92: {  	v3 =	vld [tilespmem:s9+$0x31C0]  }
0x93: {  	v4 =	vld.idx.msk [tilespmem:v4+s8+$0x0], $0xffff  }
0x94: {  	v5 =	vld [tilespmem:s10+$0x31A0]  }
0x95: {  	v0 =	vld.idx.msk [tilespmem:v0+s8+$0x0], $0xffff;
	_ =	sdelay $0x1  }
0x96: {  	v1 =	vld.idx.msk [tilespmem:v1+s8+$0x0], $0xffff;
	_ =	sdelay $0x1  }
0x97: {  	[tilespmem:v2+s7+$0x0] =	vst.idx.add.f32.msk $0xffff, v4  }
0x98: {  	[tilespmem:v3+s7+$0x0] =	vst.idx.add.f32.msk $0xffff, v0  }
0x99: {  	v0 =	vld [tilespmem:s9+$0x3150]  }
0x9a: {  	[tilespmem:v5+s7+$0x0] =	vst.idx.add.f32.msk $0xffff, v1  }
0x9b: {  	s12 =	simm.s32 $0x300;
	v1 =	vld [tilespmem:s10+$0x3130]  }
0x9c: {  	v4 =	vld [tilespmem:s12+$0x3100]  }
0x9d: {  	v2 =	vld [tilespmem:s11+$0x3110]  }
0x9e: {  	v3 =	vld [tilespmem:s9+$0x31D0];
	_ =	sdelay $0x1  }
0x9f: {  	v5 =	vld [tilespmem:s10+$0x31B0]  }
0xa0: {  	v0 =	vld.idx.msk [tilespmem:v0+s8+$0x0], $0xffff  }
0xa1: {  	v6 =	vld [tilespmem:s11+$0x3190]  }
0xa2: {  	v1 =	vld.idx.msk [tilespmem:v1+s8+$0x0], $0xffff  }
0xa3: {  	v4 =	vld.idx.msk [tilespmem:v4+s8+$0x0], $0xffff  }
0xa4: {  	v7 =	vld.idx.msk [tilespmem:v2+s8+$0x0], $0xffff  }
0xa5: {  	[tilespmem:v3+s7+$0x0] =	vst.idx.add.f32.msk $0xffff, v0  }
0xa6: {  	v0 =	vld [tilespmem:s9+$0x3160]  }
0xa7: {  	[tilespmem:v5+s7+$0x0] =	vst.idx.add.f32.msk $0xffff, v1  }
0xa8: {  	v1 =	vld [tilespmem:s10+$0x3140]  }
0xa9: {  	[tilespmem:v6+s7+$0x0] =	vst.idx.add.f32.msk $0xffff, v7  }
0xaa: {  	v3 =	vld [tilespmem:s11+$0x3120]  }
0xab: {  	s13 =	simm.s32 $0x1000;
	v2 =	vld [tilespmem:s12+$0x3180]  }
.LBB2_3:
0xac: {  	p1 =	sne.s32 s13, $0x13400;
	v5 =	vld [tilespmem:s9+$0x31E0]  }
0xad: {  	v6 =	vld [tilespmem:s10+$0x31C0]  }
0xae: {  	v0 =	vld.idx.msk [tilespmem:v0+s8+$0x0], $0xffff  }
0xaf: {  	v7 =	vld [tilespmem:s11+$0x31A0]  }
0xb0: {  	s14 =	sshra.s32 s13, $0x2;
	v1 =	vld.idx.msk [tilespmem:v1+s8+$0x0], $0xffff  }
0xb1: {  	v8 =	vld [tilespmem:s14+$0x3100]  }
0xb2: {  	v3 =	vld.idx.msk [tilespmem:v3+s8+$0x0], $0xffff  }
0xb3: {  	[tilespmem:v2+s7+$0x0] =	vst.idx.add.f32.msk $0xffff, v4  }
0xb4: {  	[tilespmem:v5+s7+$0x0] =	vst.idx.add.f32.msk $0xffff, v0  }
0xb5: {  	v0 =	vld [tilespmem:s9+$0x3170]  }
0xb6: {  	[tilespmem:v6+s7+$0x0] =	vst.idx.add.f32.msk $0xffff, v1  }
0xb7: {  	v1 =	vld [tilespmem:s10+$0x3150]  }
0xb8: {  	[tilespmem:v7+s7+$0x0] =	vst.idx.add.f32.msk $0xffff, v3  }
0xb9: {  	v2 =	vld [tilespmem:s11+$0x3130]  }
0xba: {  	v3 =	vld [tilespmem:s12+$0x3110]  }
0xbb: {  	v4 =	vld [tilespmem:s9+$0x31F0];
	s9 =	smov.u32 s10;
	s10 =	smov.u32 s11;
	s11 =	smov.u32 s12  }
0xbc: {  	s12 =	smov.u32 s14;
	v5 =	vld [tilespmem:s9+$0x31D0]  }
0xbd: {  	v0 =	vld.idx.msk [tilespmem:v0+s8+$0x0], $0xffff  }
0xbe: {  	v6 =	vld [tilespmem:s10+$0x31B0]  }
0xbf: {  	v1 =	vld.idx.msk [tilespmem:v1+s8+$0x0], $0xffff  }
0xc0: {  	v7 =	vld [tilespmem:s11+$0x3190]  }
0xc1: {  	v9 =	vld.idx.msk [tilespmem:v2+s8+$0x0], $0xffff  }
0xc2: {  	v3 =	vld.idx.msk [tilespmem:v3+s8+$0x0], $0xffff  }
0xc3: {  	[tilespmem:v4+s7+$0x0] =	vst.idx.add.f32.msk $0xffff, v0  }
0xc4: {  	v2 =	vld [tilespmem:s12+$0x3180]  }
0xc5: {  	[tilespmem:v5+s7+$0x0] =	vst.idx.add.f32.msk $0xffff, v1  }
0xc6: {  	v0 =	vld [tilespmem:s9+$0x3160]  }
.Ltmp1:
0xc7: {  	[tilespmem:v6+s7+$0x0] =	vst.idx.add.f32.msk $0xffff, v9;
	(pc) =	sbr.rel @p1 .LBB2_3-.Ltmp1, $4  }
0xc8: {  	v1 =	vld [tilespmem:s10+$0x3140]  }
0xc9: {  	[tilespmem:v7+s7+$0x0] =	vst.idx.add.f32.msk $0xffff, v3  }
0xca: {  	v3 =	vld [tilespmem:s11+$0x3120]  }
0xcb: {  	s13 =	sadd.s32 $0x400, s13;
	v4 =	vld.idx.msk [tilespmem:v8+s8+$0x0], $0xffff  }
0xcc: {  	_ =	sdelay $0x3  }
0xcd: {  	[tilespmem:v2+s7+$0x0] =	vst.idx.add.f32.msk $0xffff, v4  }
0xce: {  	v2 =	vld [tilespmem:s12+$0x3110];
	_ =	sdelay $0x4  }
0xcf: {  	v4 =	vld [tilespmem:s12+$0x3190];
	_ =	sdelay $0x2  }
0xd0: {  	v2 =	vld.idx.msk [tilespmem:v2+s8+$0x0], $0xffff;
	_ =	sdelay $0x4  }
0xd1: {  	[tilespmem:v4+s7+$0x0] =	vst.idx.add.f32.msk $0xffff, v2  }
0xd2: {  	v2 =	vld [tilespmem:s12+$0x3120];
	_ =	sdelay $0x2  }
0xd3: {  	v4 =	vld [tilespmem:s11+$0x31A0];
	_ =	sdelay $0x1  }
0xd4: {  	v5 =	vld [tilespmem:s12+$0x31A0]  }
0xd5: {  	v3 =	vld.idx.msk [tilespmem:v3+s8+$0x0], $0xffff;
	_ =	sdelay $0x1  }
0xd6: {  	v2 =	vld.idx.msk [tilespmem:v2+s8+$0x0], $0xffff;
	_ =	sdelay $0x2  }
0xd7: {  	[tilespmem:v4+s7+$0x0] =	vst.idx.add.f32.msk $0xffff, v3  }
0xd8: {  	v3 =	vld [tilespmem:s11+$0x3130]  }
0xd9: {  	[tilespmem:v5+s7+$0x0] =	vst.idx.add.f32.msk $0xffff, v2  }
0xda: {  	v2 =	vld [tilespmem:s12+$0x3130];
	_ =	sdelay $0x2  }
0xdb: {  	v4 =	vld [tilespmem:s11+$0x31B0];
	_ =	sdelay $0x1  }
0xdc: {  	v5 =	vld [tilespmem:s12+$0x31B0]  }
0xdd: {  	v3 =	vld.idx.msk [tilespmem:v3+s8+$0x0], $0xffff;
	_ =	sdelay $0x1  }
0xde: {  	v2 =	vld.idx.msk [tilespmem:v2+s8+$0x0], $0xffff;
	_ =	sdelay $0x2  }
0xdf: {  	[tilespmem:v4+s7+$0x0] =	vst.idx.add.f32.msk $0xffff, v3  }
0xe0: {  	v3 =	vld [tilespmem:s11+$0x3140]  }
0xe1: {  	[tilespmem:v5+s7+$0x0] =	vst.idx.add.f32.msk $0xffff, v2  }
0xe2: {  	v2 =	vld [tilespmem:s12+$0x3140]  }
0xe3: {  	v4 =	vld [tilespmem:s10+$0x31C0];
	_ =	sdelay $0x1  }
0xe4: {  	v5 =	vld [tilespmem:s11+$0x31C0]  }
0xe5: {  	v1 =	vld.idx.msk [tilespmem:v1+s8+$0x0], $0xffff  }
0xe6: {  	v6 =	vld [tilespmem:s12+$0x31C0]  }
0xe7: {  	v3 =	vld.idx.msk [tilespmem:v3+s8+$0x0], $0xffff;
	_ =	sdelay $0x1  }
0xe8: {  	v2 =	vld.idx.msk [tilespmem:v2+s8+$0x0], $0xffff  }
0xe9: {  	[tilespmem:v4+s7+$0x0] =	vst.idx.add.f32.msk $0xffff, v1  }
0xea: {  	v1 =	vld [tilespmem:s10+$0x3150]  }
0xeb: {  	[tilespmem:v5+s7+$0x0] =	vst.idx.add.f32.msk $0xffff, v3  }
0xec: {  	v3 =	vld [tilespmem:s11+$0x3150]  }
0xed: {  	[tilespmem:v6+s7+$0x0] =	vst.idx.add.f32.msk $0xffff, v2  }
0xee: {  	v2 =	vld [tilespmem:s12+$0x3150]  }
0xef: {  	v4 =	vld [tilespmem:s10+$0x31D0]  }
0xf0: {  	v0 =	vld.idx.msk [tilespmem:v0+s8+$0x0], $0xffff  }
0xf1: {  	v6 =	vld [tilespmem:s11+$0x31D0]  }
0xf2: {  	v1 =	vld.idx.msk [tilespmem:v1+s8+$0x0], $0xffff  }
0xf3: {  	v7 =	vld [tilespmem:s12+$0x31D0]  }
0xf4: {  	v3 =	vld.idx.msk [tilespmem:v3+s8+$0x0], $0xffff  }
0xf5: {  	v5 =	vld [tilespmem:s9+$0x31E0]  }
0xf6: {  	v2 =	vld.idx.msk [tilespmem:v2+s8+$0x0], $0xffff  }
0xf7: {  	[tilespmem:v4+s7+$0x0] =	vst.idx.add.f32.msk $0xffff, v1  }
0xf8: {  	v1 =	vld [tilespmem:s10+$0x3160]  }
0xf9: {  	[tilespmem:v6+s7+$0x0] =	vst.idx.add.f32.msk $0xffff, v3  }
0xfa: {  	v3 =	vld [tilespmem:s11+$0x3160]  }
0xfb: {  	[tilespmem:v7+s7+$0x0] =	vst.idx.add.f32.msk $0xffff, v2  }
0xfc: {  	v2 =	vld [tilespmem:s12+$0x3160]  }
0xfd: {  	v4 =	vld [tilespmem:s10+$0x31E0]  }
0xfe: {  	[tilespmem:v5+s7+$0x0] =	vst.idx.add.f32.msk $0xffff, v0  }
0xff: {  	v0 =	vld [tilespmem:s11+$0x31E0]  }
0x100: {  	v1 =	vld.idx.msk [tilespmem:v1+s8+$0x0], $0xffff  }
0x101: {  	v5 =	vld [tilespmem:s12+$0x31E0]  }
0x102: {  	v3 =	vld.idx.msk [tilespmem:v3+s8+$0x0], $0xffff  }
0x103: {  	v6 =	vld [tilespmem:s9+$0x3170]  }
0x104: {  	v2 =	vld.idx.msk [tilespmem:v2+s8+$0x0], $0xffff  }
0x105: {  	[tilespmem:v4+s7+$0x0] =	vst.idx.add.f32.msk $0xffff, v1  }
0x106: {  	v1 =	vld [tilespmem:s10+$0x3170]  }
0x107: {  	[tilespmem:v0+s7+$0x0] =	vst.idx.add.f32.msk $0xffff, v3  }
0x108: {  	v0 =	vld [tilespmem:s11+$0x3170]  }
0x109: {  	[tilespmem:v5+s7+$0x0] =	vst.idx.add.f32.msk $0xffff, v2  }
0x10a: {  	v2 =	vld [tilespmem:s12+$0x3170]  }
0x10b: {  	v4 =	vld.idx.msk [tilespmem:v6+s8+$0x0], $0xffff  }
0x10c: {  	v3 =	vld [tilespmem:s9+$0x31F0]  }
0x10d: {  	v5 =	vld [tilespmem:s10+$0x31F0]  }
0x10e: {  	v6 =	vld [tilespmem:s11+$0x31F0]  }
0x10f: {  	v7 =	vld [tilespmem:s12+$0x31F0]  }
0x110: {  	v1 =	vld.idx.msk [tilespmem:v1+s8+$0x0], $0xffff  }
0x111: {  	v0 =	vld.idx.msk [tilespmem:v0+s8+$0x0], $0xffff  }
0x112: {  	v2 =	vld.idx.msk [tilespmem:v2+s8+$0x0], $0xffff;
	_ =	sdelay $0x1  }
0x113: {  	[tilespmem:v3+s7+$0x0] =	vst.idx.add.f32.msk $0xffff, v4  }
0x114: {  	[tilespmem:v5+s7+$0x0] =	vst.idx.add.f32.msk $0xffff, v1  }
0x115: {  	[tilespmem:v6+s7+$0x0] =	vst.idx.add.f32.msk $0xffff, v0  }
0x116: {  	s31 =	simm.s32 $0x3;
	[tilespmem:v7+s7+$0x0] =	vst.idx.add.f32.msk $0xffff, v2  }
0x117: {  	_ =	swait.ge [sflag:s31], $0x4E00  }
0x118: {  	[sflag:s31] =	ssyncset.done $0x0  }
0x119: {  	s9 =	simm.s32 $0x0;
	[sflag:s31] =	ssyncadd.s32 $0xFFFFB200  }
0x11a: {  	v0 =	vld [tilespmem:s9+$0x7F00];
	_ =	sdelay $0x4  }
0x11b: {  	v1 =	vld [tilespmem:s9+$0x7F80];
	_ =	sdelay $0x1  }
0x11c: {  	s8 =	simm.s32 $0x280  }
0x11d: {  	v0 =	vld.idx.msk [tilespmem:v0+s8+$0x0], $0xffff;
	_ =	sdelay $0x3  }
0x11e: {  	s7 =	simm.s32 $0xCE00  }
0x11f: {  	[tilespmem:v1+s7+$0x0] =	vst.idx.add.f32.msk $0xffff, v0  }
0x120: {  	v0 =	vld [tilespmem:s9+$0x7F10];
	_ =	sdelay $0x4  }
0x121: {  	v1 =	vld [tilespmem:s9+$0x7F90];
	_ =	sdelay $0x2  }
0x122: {  	v0 =	vld.idx.msk [tilespmem:v0+s8+$0x0], $0xffff;
	_ =	sdelay $0x4  }
0x123: {  	[tilespmem:v1+s7+$0x0] =	vst.idx.add.f32.msk $0xffff, v0  }
0x124: {  	v0 =	vld [tilespmem:s9+$0x7F20]  }
0x125: {  	s10 =	simm.s32 $0x100  }
0x126: {  	v1 =	vld [tilespmem:s10+$0x7F00];
	_ =	sdelay $0x2  }
0x127: {  	v2 =	vld [tilespmem:s9+$0x7FA0];
	_ =	sdelay $0x1  }
0x128: {  	v3 =	vld [tilespmem:s10+$0x7F80]  }
0x129: {  	v0 =	vld.idx.msk [tilespmem:v0+s8+$0x0], $0xffff;
	_ =	sdelay $0x1  }
0x12a: {  	v1 =	vld.idx.msk [tilespmem:v1+s8+$0x0], $0xffff;
	_ =	sdelay $0x2  }
0x12b: {  	[tilespmem:v2+s7+$0x0] =	vst.idx.add.f32.msk $0xffff, v0  }
0x12c: {  	v0 =	vld [tilespmem:s9+$0x7F30]  }
0x12d: {  	[tilespmem:v3+s7+$0x0] =	vst.idx.add.f32.msk $0xffff, v1  }
0x12e: {  	v1 =	vld [tilespmem:s10+$0x7F10];
	_ =	sdelay $0x2  }
0x12f: {  	v2 =	vld [tilespmem:s9+$0x7FB0];
	_ =	sdelay $0x1  }
0x130: {  	v3 =	vld [tilespmem:s10+$0x7F90]  }
0x131: {  	v0 =	vld.idx.msk [tilespmem:v0+s8+$0x0], $0xffff;
	_ =	sdelay $0x1  }
0x132: {  	v1 =	vld.idx.msk [tilespmem:v1+s8+$0x0], $0xffff  }
0x133: {  	s11 =	simm.s32 $0x200  }
0x134: {  	v4 =	vld [tilespmem:s11+$0x7F00]  }
0x135: {  	[tilespmem:v2+s7+$0x0] =	vst.idx.add.f32.msk $0xffff, v0  }
0x136: {  	v0 =	vld [tilespmem:s9+$0x7F40]  }
0x137: {  	[tilespmem:v3+s7+$0x0] =	vst.idx.add.f32.msk $0xffff, v1  }
0x138: {  	v1 =	vld [tilespmem:s10+$0x7F20];
	_ =	sdelay $0x1  }
0x139: {  	v2 =	vld [tilespmem:s11+$0x7F80]  }
0x13a: {  	v3 =	vld [tilespmem:s9+$0x7FC0]  }
0x13b: {  	v4 =	vld.idx.msk [tilespmem:v4+s8+$0x0], $0xffff  }
0x13c: {  	v5 =	vld [tilespmem:s10+$0x7FA0]  }
0x13d: {  	v0 =	vld.idx.msk [tilespmem:v0+s8+$0x0], $0xffff;
	_ =	sdelay $0x1  }
0x13e: {  	v1 =	vld.idx.msk [tilespmem:v1+s8+$0x0], $0xffff;
	_ =	sdelay $0x1  }
0x13f: {  	[tilespmem:v2+s7+$0x0] =	vst.idx.add.f32.msk $0xffff, v4  }
0x140: {  	[tilespmem:v3+s7+$0x0] =	vst.idx.add.f32.msk $0xffff, v0  }
0x141: {  	v0 =	vld [tilespmem:s9+$0x7F50]  }
0x142: {  	[tilespmem:v5+s7+$0x0] =	vst.idx.add.f32.msk $0xffff, v1  }
0x143: {  	s12 =	simm.s32 $0x300;
	v1 =	vld [tilespmem:s10+$0x7F30]  }
0x144: {  	v4 =	vld [tilespmem:s12+$0x7F00]  }
0x145: {  	v2 =	vld [tilespmem:s11+$0x7F10]  }
0x146: {  	v3 =	vld [tilespmem:s9+$0x7FD0];
	_ =	sdelay $0x1  }
0x147: {  	v5 =	vld [tilespmem:s10+$0x7FB0]  }
0x148: {  	v0 =	vld.idx.msk [tilespmem:v0+s8+$0x0], $0xffff  }
0x149: {  	v6 =	vld [tilespmem:s11+$0x7F90]  }
0x14a: {  	v1 =	vld.idx.msk [tilespmem:v1+s8+$0x0], $0xffff  }
0x14b: {  	v4 =	vld.idx.msk [tilespmem:v4+s8+$0x0], $0xffff  }
0x14c: {  	v7 =	vld.idx.msk [tilespmem:v2+s8+$0x0], $0xffff  }
0x14d: {  	[tilespmem:v3+s7+$0x0] =	vst.idx.add.f32.msk $0xffff, v0  }
0x14e: {  	v0 =	vld [tilespmem:s9+$0x7F60]  }
0x14f: {  	[tilespmem:v5+s7+$0x0] =	vst.idx.add.f32.msk $0xffff, v1  }
0x150: {  	v1 =	vld [tilespmem:s10+$0x7F40]  }
0x151: {  	[tilespmem:v6+s7+$0x0] =	vst.idx.add.f32.msk $0xffff, v7  }
0x152: {  	v3 =	vld [tilespmem:s11+$0x7F20]  }
0x153: {  	s13 =	simm.s32 $0x1000;
	v2 =	vld [tilespmem:s12+$0x7F80]  }
.LBB2_5:
0x154: {  	p1 =	sne.s32 s13, $0x13400;
	v5 =	vld [tilespmem:s9+$0x7FE0]  }
0x155: {  	v6 =	vld [tilespmem:s10+$0x7FC0]  }
0x156: {  	v0 =	vld.idx.msk [tilespmem:v0+s8+$0x0], $0xffff  }
0x157: {  	v7 =	vld [tilespmem:s11+$0x7FA0]  }
0x158: {  	s14 =	sshra.s32 s13, $0x2;
	v1 =	vld.idx.msk [tilespmem:v1+s8+$0x0], $0xffff  }
0x159: {  	v8 =	vld [tilespmem:s14+$0x7F00]  }
0x15a: {  	v3 =	vld.idx.msk [tilespmem:v3+s8+$0x0], $0xffff  }
0x15b: {  	[tilespmem:v2+s7+$0x0] =	vst.idx.add.f32.msk $0xffff, v4  }
0x15c: {  	[tilespmem:v5+s7+$0x0] =	vst.idx.add.f32.msk $0xffff, v0  }
0x15d: {  	v0 =	vld [tilespmem:s9+$0x7F70]  }
0x15e: {  	[tilespmem:v6+s7+$0x0] =	vst.idx.add.f32.msk $0xffff, v1  }
0x15f: {  	v1 =	vld [tilespmem:s10+$0x7F50]  }
0x160: {  	[tilespmem:v7+s7+$0x0] =	vst.idx.add.f32.msk $0xffff, v3  }
0x161: {  	v2 =	vld [tilespmem:s11+$0x7F30]  }
0x162: {  	v3 =	vld [tilespmem:s12+$0x7F10]  }
0x163: {  	v4 =	vld [tilespmem:s9+$0x7FF0];
	s9 =	smov.u32 s10;
	s10 =	smov.u32 s11;
	s11 =	smov.u32 s12  }
0x164: {  	s12 =	smov.u32 s14;
	v5 =	vld [tilespmem:s9+$0x7FD0]  }
0x165: {  	v0 =	vld.idx.msk [tilespmem:v0+s8+$0x0], $0xffff  }
0x166: {  	v6 =	vld [tilespmem:s10+$0x7FB0]  }
0x167: {  	v1 =	vld.idx.msk [tilespmem:v1+s8+$0x0], $0xffff  }
0x168: {  	v7 =	vld [tilespmem:s11+$0x7F90]  }
0x169: {  	v9 =	vld.idx.msk [tilespmem:v2+s8+$0x0], $0xffff  }
0x16a: {  	v3 =	vld.idx.msk [tilespmem:v3+s8+$0x0], $0xffff  }
0x16b: {  	[tilespmem:v4+s7+$0x0] =	vst.idx.add.f32.msk $0xffff, v0  }
0x16c: {  	v2 =	vld [tilespmem:s12+$0x7F80]  }
0x16d: {  	[tilespmem:v5+s7+$0x0] =	vst.idx.add.f32.msk $0xffff, v1  }
0x16e: {  	v0 =	vld [tilespmem:s9+$0x7F60]  }
.Ltmp2:
0x16f: {  	[tilespmem:v6+s7+$0x0] =	vst.idx.add.f32.msk $0xffff, v9;
	(pc) =	sbr.rel @p1 .LBB2_5-.Ltmp2, $4  }
0x170: {  	v1 =	vld [tilespmem:s10+$0x7F40]  }
0x171: {  	[tilespmem:v7+s7+$0x0] =	vst.idx.add.f32.msk $0xffff, v3  }
0x172: {  	v3 =	vld [tilespmem:s11+$0x7F20]  }
0x173: {  	s13 =	sadd.s32 $0x400, s13;
	v4 =	vld.idx.msk [tilespmem:v8+s8+$0x0], $0xffff  }
0x174: {  	_ =	sdelay $0x3  }
0x175: {  	[tilespmem:v2+s7+$0x0] =	vst.idx.add.f32.msk $0xffff, v4  }
0x176: {  	v2 =	vld [tilespmem:s12+$0x7F10];
	_ =	sdelay $0x4  }
0x177: {  	v4 =	vld [tilespmem:s12+$0x7F90];
	_ =	sdelay $0x2  }
0x178: {  	v2 =	vld.idx.msk [tilespmem:v2+s8+$0x0], $0xffff;
	_ =	sdelay $0x4  }
0x179: {  	[tilespmem:v4+s7+$0x0] =	vst.idx.add.f32.msk $0xffff, v2  }
0x17a: {  	v2 =	vld [tilespmem:s12+$0x7F20];
	_ =	sdelay $0x2  }
0x17b: {  	v52 =	vld [tilespmem:s11+$0x7FA0];
	_ =	sdelay $0x1  }
0x17c: {  	v5 =	vld [tilespmem:s12+$0x7FA0]  }
0x17d: {  	v3 =	vld.idx.msk [tilespmem:v3+s8+$0x0], $0xffff;
	_ =	sdelay $0x1  }
0x17e: {  	v2 =	vld.idx.msk [tilespmem:v2+s8+$0x0], $0xffff;
	_ =	sdelay $0x2  }
0x17f: {  	[tilespmem:v52+s7+$0x0] =	vst.idx.add.f32.msk $0xffff, v3  }
0x180: {  	v3 =	vld [tilespmem:s11+$0x7F30]  }
0x181: {  	[tilespmem:v5+s7+$0x0] =	vst.idx.add.f32.msk $0xffff, v2  }
0x182: {  	v2 =	vld [tilespmem:s12+$0x7F30];
	_ =	sdelay $0x2  }
0x183: {  	v4 =	vld [tilespmem:s11+$0x7FB0];
	_ =	sdelay $0x1  }
0x184: {  	v5 =	vld [tilespmem:s12+$0x7FB0]  }
0x185: {  	v3 =	vld.idx.msk [tilespmem:v3+s8+$0x0], $0xffff;
	_ =	sdelay $0x1  }
0x186: {  	v2 =	vld.idx.msk [tilespmem:v2+s8+$0x0], $0xffff;
	_ =	sdelay $0x2  }
0x187: {  	[tilespmem:v4+s7+$0x0] =	vst.idx.add.f32.msk $0xffff, v3  }
0x188: {  	v3 =	vld [tilespmem:s11+$0x7F40]  }
0x189: {  	[tilespmem:v5+s7+$0x0] =	vst.idx.add.f32.msk $0xffff, v2  }
0x18a: {  	v2 =	vld [tilespmem:s12+$0x7F40]  }
0x18b: {  	v53 =	vld [tilespmem:s10+$0x7FC0];
	_ =	sdelay $0x1  }
0x18c: {  	v54 =	vld [tilespmem:s11+$0x7FC0]  }
0x18d: {  	v1 =	vld.idx.msk [tilespmem:v1+s8+$0x0], $0xffff  }
0x18e: {  	v6 =	vld [tilespmem:s12+$0x7FC0]  }
0x18f: {  	v3 =	vld.idx.msk [tilespmem:v3+s8+$0x0], $0xffff;
	_ =	sdelay $0x1  }
0x190: {  	v2 =	vld.idx.msk [tilespmem:v2+s8+$0x0], $0xffff  }
0x191: {  	[tilespmem:v53+s7+$0x0] =	vst.idx.add.f32.msk $0xffff, v1  }
0x192: {  	v1 =	vld [tilespmem:s10+$0x7F50]  }
0x193: {  	[tilespmem:v54+s7+$0x0] =	vst.idx.add.f32.msk $0xffff, v3  }
0x194: {  	v3 =	vld [tilespmem:s11+$0x7F50]  }
0x195: {  	[tilespmem:v6+s7+$0x0] =	vst.idx.add.f32.msk $0xffff, v2  }
0x196: {  	v2 =	vld [tilespmem:s12+$0x7F50]  }
0x197: {  	v4 =	vld [tilespmem:s10+$0x7FD0]  }
0x198: {  	v55 =	vld [tilespmem:s9+$0x7FE0]  }
0x199: {  	v56 =	vld [tilespmem:s11+$0x7FD0]  }
0x19a: {  	v1 =	vld.idx.msk [tilespmem:v1+s8+$0x0], $0xffff  }
0x19b: {  	v7 =	vld [tilespmem:s12+$0x7FD0]  }
0x19c: {  	v3 =	vld.idx.msk [tilespmem:v3+s8+$0x0], $0xffff  }
0x19d: {  	v0 =	vld.idx.msk [tilespmem:v0+s8+$0x0], $0xffff  }
0x19e: {  	v2 =	vld.idx.msk [tilespmem:v2+s8+$0x0], $0xffff  }
0x19f: {  	[tilespmem:v4+s7+$0x0] =	vst.idx.add.f32.msk $0xffff, v1  }
0x1a0: {  	v1 =	vld [tilespmem:s10+$0x7F60]  }
0x1a1: {  	[tilespmem:v56+s7+$0x0] =	vst.idx.add.f32.msk $0xffff, v3  }
0x1a2: {  	v3 =	vld [tilespmem:s11+$0x7F60]  }
0x1a3: {  	[tilespmem:v7+s7+$0x0] =	vst.idx.add.f32.msk $0xffff, v2  }
0x1a4: {  	v2 =	vld [tilespmem:s12+$0x7F60]  }
0x1a5: {  	v4 =	vld [tilespmem:s10+$0x7FE0]  }
0x1a6: {  	[tilespmem:v55+s7+$0x0] =	vst.idx.add.f32.msk $0xffff, v0  }
0x1a7: {  	v57 =	vld [tilespmem:s11+$0x7FE0]  }
0x1a8: {  	v1 =	vld.idx.msk [tilespmem:v1+s8+$0x0], $0xffff  }
0x1a9: {  	v58 =	vld [tilespmem:s12+$0x7FE0]  }
0x1aa: {  	v3 =	vld.idx.msk [tilespmem:v3+s8+$0x0], $0xffff  }
0x1ab: {  	v59 =	vld [tilespmem:s9+$0x7F70]  }
0x1ac: {  	v2 =	vld.idx.msk [tilespmem:v2+s8+$0x0], $0xffff  }
0x1ad: {  	[tilespmem:v4+s7+$0x0] =	vst.idx.add.f32.msk $0xffff, v1  }
0x1ae: {  	v1 =	vld [tilespmem:s10+$0x7F70]  }
0x1af: {  	[tilespmem:v57+s7+$0x0] =	vst.idx.add.f32.msk $0xffff, v3  }
0x1b0: {  	v0 =	vld [tilespmem:s11+$0x7F70]  }
0x1b1: {  	[tilespmem:v58+s7+$0x0] =	vst.idx.add.f32.msk $0xffff, v2  }
0x1b2: {  	v2 =	vld [tilespmem:s12+$0x7F70]  }
0x1b3: {  	v60 =	vld [tilespmem:s9+$0x7FF0]  }
0x1b4: {  	v61 =	vld.idx.msk [tilespmem:v59+s8+$0x0], $0xffff  }
0x1b5: {  	v62 =	vld [tilespmem:s10+$0x7FF0]  }
0x1b6: {  	v63 =	vld [tilespmem:s11+$0x7FF0]  }
0x1b7: {  	v7 =	vld [tilespmem:s12+$0x7FF0]  }
0x1b8: {  	v1 =	vld.idx.msk [tilespmem:v1+s8+$0x0], $0xffff  }
0x1b9: {  	v0 =	vld.idx.msk [tilespmem:v0+s8+$0x0], $0xffff  }
0x1ba: {  	v2 =	vld.idx.msk [tilespmem:v2+s8+$0x0], $0xffff;
	_ =	sdelay $0x1  }
0x1bb: {  	[tilespmem:v60+s7+$0x0] =	vst.idx.add.f32.msk $0xffff, v61  }
0x1bc: {  	[tilespmem:v62+s7+$0x0] =	vst.idx.add.f32.msk $0xffff, v1  }
0x1bd: {  	[tilespmem:v63+s7+$0x0] =	vst.idx.add.f32.msk $0xffff, v0  }
0x1be: {  	[tilespmem:v7+s7+$0x0] =	vst.idx.add.f32.msk $0xffff, v2  }
0x1bf: {  	v0 =	vld @!p0 [tilespmem:$0xCD00];
	_ =	sdelay $0x4  }
0x1c0: {  	v1 =	vld @!p0 [tilespmem:$0xCD80];
	_ =	sdelay $0x1  }
0x1c1: {  	s7 =	simm.s32 @!p0 $0x280  }
0x1c2: {  	v0 =	vld.idx.msk @!p0 [tilespmem:v0+s7+$0x0], $0xffff;
	_ =	sdelay $0x3  }
0x1c3: {  	s8 =	simm.s32 @!p0 $0xCE00  }
0x1c4: {  	[tilespmem:v1+s8+$0x0] =	vst.idx.add.f32.msk @!p0 $0xffff, v0  }
0x1c5: {  	v0 =	vld @!p0 [tilespmem:$0xCD10];
	_ =	sdelay $0x4  }
0x1c6: {  	v1 =	vld @!p0 [tilespmem:$0xCD90];
	_ =	sdelay $0x2  }
0x1c7: {  	v0 =	vld.idx.msk @!p0 [tilespmem:v0+s7+$0x0], $0xffff;
	_ =	sdelay $0x4  }
0x1c8: {  	[tilespmem:v1+s8+$0x0] =	vst.idx.add.f32.msk @!p0 $0xffff, v0  }
0x1c9: {  	v0 =	vld @!p0 [tilespmem:$0xCD20];
	_ =	sdelay $0x4  }
0x1ca: {  	v1 =	vld @!p0 [tilespmem:$0xCDA0];
	_ =	sdelay $0x2  }
0x1cb: {  	v0 =	vld.idx.msk @!p0 [tilespmem:v0+s7+$0x0], $0xffff;
	_ =	sdelay $0x4  }
0x1cc: {  	[tilespmem:v1+s8+$0x0] =	vst.idx.add.f32.msk @!p0 $0xffff, v0  }
0x1cd: {  	v0 =	vld @!p0 [tilespmem:$0xCD30];
	_ =	sdelay $0x4  }
0x1ce: {  	v1 =	vld @!p0 [tilespmem:$0xCDB0];
	_ =	sdelay $0x2  }
0x1cf: {  	v0 =	vld.idx.msk @!p0 [tilespmem:v0+s7+$0x0], $0xffff;
	_ =	sdelay $0x4  }
0x1d0: {  	[tilespmem:v1+s8+$0x0] =	vst.idx.add.f32.msk @!p0 $0xffff, v0  }
0x1d1: {  	v0 =	vld @!p0 [tilespmem:$0xCD40];
	_ =	sdelay $0x4  }
0x1d2: {  	v1 =	vld @!p0 [tilespmem:$0xCDC0];
	_ =	sdelay $0x2  }
0x1d3: {  	v0 =	vld.idx.msk @!p0 [tilespmem:v0+s7+$0x0], $0xffff;
	_ =	sdelay $0x4  }
0x1d4: {  	[tilespmem:v1+s8+$0x0] =	vst.idx.add.f32.msk @!p0 $0xffff, v0  }
0x1d5: {  	v0 =	vld @!p0 [tilespmem:$0xCD50];
	_ =	sdelay $0x4  }
0x1d6: {  	v1 =	vld @!p0 [tilespmem:$0xCDD0];
	_ =	sdelay $0x2  }
0x1d7: {  	v0 =	vld.idx.msk @!p0 [tilespmem:v0+s7+$0x0], $0xffff;
	_ =	sdelay $0x4  }
0x1d8: {  	[tilespmem:v1+s8+$0x0] =	vst.idx.add.f32.msk @!p0 $0xffff, v0  }
0x1d9: {  	v0 =	vld @!p0 [tilespmem:$0xCD60];
	_ =	sdelay $0x4  }
0x1da: {  	v1 =	vld @!p0 [tilespmem:$0xCDE0];
	_ =	sdelay $0x2  }
0x1db: {  	v0 =	vld.idx.msk @!p0 [tilespmem:v0+s7+$0x0], $0xffff;
	_ =	sdelay $0x4  }
0x1dc: {  	[tilespmem:v1+s8+$0x0] =	vst.idx.add.f32.msk @!p0 $0xffff, v0  }
0x1dd: {  	v0 =	vld @!p0 [tilespmem:$0xCD70];
	_ =	sdelay $0x4  }
0x1de: {  	v1 =	vld @!p0 [tilespmem:$0xCDF0];
	_ =	sdelay $0x2  }
0x1df: {  	v0 =	vld.idx.msk @!p0 [tilespmem:v0+s7+$0x0], $0xffff;
	_ =	sdelay $0x3  }
0x1e0: {  	s29 =	simm.s32 $0xCE00  }
0x1e1: {  	s30 =	simm.s32 $0x4;
	s7 =	simm.s32 $0x80;
	[tilespmem:v1+s8+$0x0] =	vst.idx.add.f32.msk @!p0 $0xffff, v0;
	s8 =	simm.s32 $0x400  }
0x1e2: {  	[spmem:s6] =	stream.strided.scatter [tilespmem:s29], [sflag:$0x4], $0x2800, s8, s7, $0x38;
	[tilespmem:$0x12580] =	vst v63  }
0x1e3: {  	_ =	swait.ge [sflag:s30], $0x2800  }
0x1e4: {  	[sflag:s30] =	ssyncset.done $0x0  }
0x1e5: {  	[sflag:s30] =	ssyncadd.s32 $0xFFFFD800  }
0x1e6: {  	s6 =	simm.s32 $0xF600;
	[bflag:$0x0] =	sbarrier.arrive $0xFFFF  }
0x1e7: {  	[tilespmem:s6], [sflag:$0x2] =	stream.strided.gather [spmem:s5], $0x280, s8, s7, $0x38;
	[tilespmem:$0x12580] =	vst v63  }
0x1e8: {  	s31 =	simm.s32 $0xFB00  }
0x1e9: {  	[tilespmem:s31], [sflag:$0x4] =	stream.strided.gather [spmem:s4], $0x280, s8, s7, $0x38;
	[tilespmem:$0x12580] =	vst v63  }
0x1ea: {  	_ =	swait.ge [sflag:s30], $0x280  }
0x1eb: {  	s9 =	simm.s32 $0xF880;
	s10 =	simm.s32 $0x2;
	[sflag:s30] =	ssyncset.done $0x0  }
0x1ec: {  	s11 =	simm.s32 $0x3;
	s5 =	simm.s32 $0x0;
	[sflag:s30] =	ssyncadd.s32 $0xFFFFFD80  }
.LBB2_7:
0x1ed: {  	s12 =	sshll.u32 s5, $0x1  }
0x1ee: {  	s13 =	sadd.s32 $0x2, s12  }
0x1ef: {  	s14 =	sshrl.u32 s13, $0x3  }
0x1f0: {  	s14 =	smul.u32 $0x50000, s14;
	_ =	sdelay $0x1  }
0x1f1: {  	s13 =	sshll.u32 s13, $0x7;
	s14 =	sshra.s32 s14, $0x2  }
0x1f2: {  	s13 =	sand.u32 $0x300, s13;
	s14 =	sadd.s32 s14, s4  }
0x1f3: {  	s13 =	sadd.s32 s13, s14  }
0x1f4: {  	[tilespmem:s9], [sflag:$0x3] =	stream.strided.gather [spmem:s13], $0x280, s8, s7, $0x38;
	[tilespmem:$0x12580] =	vst v63  }
0x1f5: {  	_ =	swait.ge [sflag:s10], $0x280  }
0x1f6: {  	[sflag:s10] =	ssyncset.done $0x0  }
0x1f7: {  	s13 =	simm.s32 $0xFB20;
	[sflag:s10] =	ssyncadd.s32 $0xFFFFFD80  }
0x1f8: {  	s14 =	simm.s32 $0xF620;
	v5 =	vld [tilespmem:s13+$0x10]  }
0x1f9: {  	v6 =	vld [tilespmem:s14+$0x10]  }
0x1fa: {  	v2 =	vld [tilespmem:s14+$0xFFFFFFE0]  }
0x1fb: {  	v1 =	vld [tilespmem:s13+$0xFFFFFFF0]  }
0x1fc: {  	v4 =	vld [tilespmem:s14+$0xFFFFFFF0]  }
0x1fd: {  	v0 =	vld [tilespmem:s13+$0x0]  }
0x1fe: {  	v3 =	vld [tilespmem:s14+$0x0];
	v6 =	vadd.f32 v6, v5  }
0x1ff: {  	s15 =	simm.s32 $0x0;
	s16 =	simm.s32 $0xFB60;
	v5 =	vld [tilespmem:s13+$0xFFFFFFE0]  }
.LBB2_8:
0x200: {  	v7 =	vld [tilespmem:s16+$0x10];
	[tilespmem:s13+$0x10] =	vst v6;
	s14 =	sadd.s32 $0x40, s14  }
0x201: {  	s15 =	sadd.s32 $0x4, s15;
	v6 =	vld [tilespmem:s14+$0x10];
	v4 =	vadd.f32 v4, v1  }
0x202: {  	p0 =	slt.u32 s15, $0x24;
	v8 =	vld [tilespmem:s14+$0xFFFFFFE0]  }
.Ltmp3:
0x203: {  	v1 =	vld [tilespmem:s16+$0xFFFFFFF0];
	[tilespmem:s13+$0xFFFFFFF0] =	vst v4;
	v3 =	vadd.f32 v3, v0;
	(pc) =	sbr.rel @p0 .LBB2_8-.Ltmp3, $4  }
0x204: {  	v4 =	vld [tilespmem:s14+$0xFFFFFFF0];
	v9 =	vadd.f32 v2, v5  }
0x205: {  	v0 =	vld [tilespmem:s16+$0x0];
	[tilespmem:s13+$0x0] =	vst v3  }
0x206: {  	v3 =	vld [tilespmem:s14+$0x0];
	v6 =	vadd.f32 v6, v7;
	[tilespmem:s13+$0xFFFFFFE0] =	vst v9;
	s13 =	smov.u32 s16  }
0x207: {  	s16 =	sadd.s32 $0x40, s16;
	v5 =	vld [tilespmem:s13+$0xFFFFFFE0];
	v2 =	vmov v8  }
0x208: {  	s12 =	sadd.s32 $0x3, s12  }
0x209: {  	s14 =	sshrl.u32 s12, $0x3  }
0x20a: {  	v1 =	vadd.f32 v4, v1;
	s14 =	smul.u32 $0x50000, s14  }
0x20b: {  	[tilespmem:s13+$0x10] =	vst v6;
	v0 =	vadd.f32 v3, v0  }
0x20c: {  	s12 =	sshll.u32 s12, $0x7;
	[tilespmem:s13+$0xFFFFFFF0] =	vst v1;
	v1 =	vadd.f32 v2, v5;
	s14 =	sshra.s32 s14, $0x2  }
0x20d: {  	s12 =	sand.u32 $0x380, s12;
	[tilespmem:s13+$0x0] =	vst v0;
	s14 =	sadd.s32 s14, s4  }
0x20e: {  	[tilespmem:s13+$0xFFFFFFE0] =	vst v1;
	s12 =	sadd.s32 s12, s14  }
0x20f: {  	[tilespmem:s6], [sflag:$0x2] =	stream.strided.gather [spmem:s12], $0x280, s8, s7, $0x38;
	[tilespmem:$0x12580] =	vst v63  }
0x210: {  	_ =	swait.ge [sflag:s11], $0x280  }
0x211: {  	[sflag:s11] =	ssyncset.done $0x0  }
0x212: {  	s12 =	simm.s32 $0xFB20;
	[sflag:s11] =	ssyncadd.s32 $0xFFFFFD80  }
0x213: {  	s13 =	simm.s32 $0xF8A0;
	v5 =	vld [tilespmem:s12+$0x10]  }
0x214: {  	v6 =	vld [tilespmem:s13+$0x10]  }
0x215: {  	v2 =	vld [tilespmem:s13+$0xFFFFFFE0]  }
0x216: {  	v0 =	vld [tilespmem:s12+$0xFFFFFFF0]  }
0x217: {  	v4 =	vld [tilespmem:s13+$0xFFFFFFF0]  }
0x218: {  	v1 =	vld [tilespmem:s12+$0x0]  }
0x219: {  	v3 =	vld [tilespmem:s13+$0x0];
	v6 =	vadd.f32 v6, v5  }
0x21a: {  	s15 =	simm.s32 $0xFB60;
	s14 =	simm.s32 $0x0;
	v5 =	vld [tilespmem:s12+$0xFFFFFFE0]  }
.LBB2_10:
0x21b: {  	v7 =	vld [tilespmem:s15+$0x10];
	[tilespmem:s12+$0x10] =	vst v6;
	s13 =	sadd.s32 $0x40, s13  }
0x21c: {  	s14 =	sadd.s32 $0x4, s14;
	v6 =	vld [tilespmem:s13+$0x10];
	v4 =	vadd.f32 v4, v0  }
0x21d: {  	p0 =	slt.u32 s14, $0x24;
	v8 =	vld [tilespmem:s13+$0xFFFFFFE0]  }
.Ltmp4:
0x21e: {  	v0 =	vld [tilespmem:s15+$0xFFFFFFF0];
	[tilespmem:s12+$0xFFFFFFF0] =	vst v4;
	v3 =	vadd.f32 v3, v1;
	(pc) =	sbr.rel @p0 .LBB2_10-.Ltmp4, $4  }
0x21f: {  	v4 =	vld [tilespmem:s13+$0xFFFFFFF0];
	v9 =	vadd.f32 v2, v5  }
0x220: {  	v1 =	vld [tilespmem:s15+$0x0];
	[tilespmem:s12+$0x0] =	vst v3  }
0x221: {  	v3 =	vld [tilespmem:s13+$0x0];
	v6 =	vadd.f32 v6, v7;
	[tilespmem:s12+$0xFFFFFFE0] =	vst v9;
	s12 =	smov.u32 s15  }
0x222: {  	s15 =	sadd.s32 $0x40, s15;
	v5 =	vld [tilespmem:s12+$0xFFFFFFE0];
	v2 =	vmov v8  }
0x223: {  	s5 =	sadd.s32 $0x1, s5  }
0x224: {  	p0 =	sne.s32 s5, $0x7  }
.Ltmp5:
0x225: {  	v0 =	vadd.f32 v4, v0;
	(pc) =	sbr.rel @p0 .LBB2_7-.Ltmp5, $4  }
0x226: {  	[tilespmem:s12+$0x10] =	vst v6;
	v1 =	vadd.f32 v3, v1  }
0x227: {  	[tilespmem:s12+$0xFFFFFFF0] =	vst v0;
	v63 =	vadd.f32 v2, v5  }
0x228: {  	[tilespmem:s12+$0x0] =	vst v1  }
0x229: {  	[tilespmem:s12+$0xFFFFFFE0] =	vst v63  }
0x22a: {  	s4 =	simm.s32 $0x2  }
0x22b: {  	_ =	swait.ge [sflag:s4], $0x280  }
0x22c: {  	[sflag:s4] =	ssyncset.done $0x0  }
0x22d: {  	[sflag:s4] =	ssyncadd.s32 $0xFFFFFD80;
	s4 =	simm.s32 $0xFB20  }
0x22e: {  	s5 =	simm.s32 $0xF620;
	v5 =	vld [tilespmem:s4+$0x10]  }
0x22f: {  	v6 =	vld [tilespmem:s5+$0x10]  }
0x230: {  	v2 =	vld [tilespmem:s5+$0xFFFFFFE0]  }
0x231: {  	v0 =	vld [tilespmem:s4+$0xFFFFFFF0]  }
0x232: {  	v4 =	vld [tilespmem:s5+$0xFFFFFFF0]  }
0x233: {  	v1 =	vld [tilespmem:s4+$0x0]  }
0x234: {  	v3 =	vld [tilespmem:s5+$0x0];
	v6 =	vadd.f32 v6, v5  }
0x235: {  	s6 =	simm.s32 $0x0;
	s7 =	simm.s32 $0xFB60;
	v5 =	vld [tilespmem:s4+$0xFFFFFFE0]  }
.LBB2_13:
0x236: {  	v7 =	vld [tilespmem:s7+$0x10];
	[tilespmem:s4+$0x10] =	vst v6;
	s5 =	sadd.s32 $0x40, s5  }
0x237: {  	s6 =	sadd.s32 $0x4, s6;
	v6 =	vld [tilespmem:s5+$0x10];
	v4 =	vadd.f32 v4, v0  }
0x238: {  	p0 =	slt.u32 s6, $0x24;
	v8 =	vld [tilespmem:s5+$0xFFFFFFE0]  }
.Ltmp6:
0x239: {  	v0 =	vld [tilespmem:s7+$0xFFFFFFF0];
	[tilespmem:s4+$0xFFFFFFF0] =	vst v4;
	v3 =	vadd.f32 v3, v1;
	(pc) =	sbr.rel @p0 .LBB2_13-.Ltmp6, $4  }
0x23a: {  	v4 =	vld [tilespmem:s5+$0xFFFFFFF0];
	v9 =	vadd.f32 v2, v5  }
0x23b: {  	v1 =	vld [tilespmem:s7+$0x0];
	[tilespmem:s4+$0x0] =	vst v3  }
0x23c: {  	v3 =	vld [tilespmem:s5+$0x0];
	v6 =	vadd.f32 v6, v7;
	[tilespmem:s4+$0xFFFFFFE0] =	vst v9;
	s4 =	smov.u32 s7  }
0x23d: {  	s7 =	sadd.s32 $0x40, s7;
	v5 =	vld [tilespmem:s4+$0xFFFFFFE0];
	v2 =	vmov v8  }
0x23e: {  	_ =	sdelay $0x1  }
0x23f: {  	v0 =	vadd.f32 v4, v0  }
0x240: {  	[tilespmem:s4+$0x10] =	vst v6;
	v1 =	vadd.f32 v3, v1  }
0x241: {  	[tilespmem:s4+$0xFFFFFFF0] =	vst v0;
	v0 =	vadd.f32 v2, v5  }
0x242: {  	[tilespmem:s4+$0x0] =	vst v1  }
0x243: {  	s5 =	simm.s32 $0x2EA0;
	[tilespmem:s4+$0xFFFFFFE0] =	vst v0  }
0x244: {  	v0 =	vld [tilespmem:s5+$0x10]  }
0x245: {  	s4 =	simm.s32 $0xFB20;
	v1 =	vld [tilespmem:s5+$0xFFFFFFE0]  }
0x246: {  	v2 =	vld [tilespmem:s4+$0x10]  }
0x247: {  	v3 =	vld [tilespmem:s5+$0xFFFFFFF0]  }
0x248: {  	v4 =	vld [tilespmem:s5+$0x0]  }
0x249: {  	v5 =	vld [tilespmem:s4+$0xFFFFFFF0]  }
0x24a: {  	v6 =	vld [tilespmem:s4+$0x0]  }
0x24b: {  	s6 =	simm.s32 $0x2EE0;
	v7 =	vld [tilespmem:s4+$0xFFFFFFE0];
	v0 =	vadd.f32 v0, v0  }
0x24c: {  	v8 =	vld [tilespmem:s6+$0x10];
	s5 =	simm.s32 $0xFB60;
	v3 =	vadd.f32 v3, v3  }
0x24d: {  	v9 =	vld [tilespmem:s5+$0x10];
	v4 =	vadd.f32 v4, v4;
	v0 =	vsub.f32 v2, v0  }
0x24e: {  	v2 =	vld [tilespmem:s6+$0xFFFFFFE0];
	v3 =	vsub.f32 v5, v3;
	v5 =	vadd.f32 v1, v1  }
0x24f: {  	v1 =	vld [tilespmem:s6+$0xFFFFFFF0];
	v4 =	vsub.f32 v6, v4;
	v10 =	vmul.f32 $1.000000000e+02, v0  }
0x250: {  	v0 =	vld [tilespmem:s6+$0x0];
	v6 =	vmul.f32 $1.000000000e+02, v3;
	v5 =	vsub.f32 v7, v5  }
0x251: {  	v3 =	vld [tilespmem:s5+$0xFFFFFFF0];
	v7 =	vadd.f32 v8, v8;
	v8 =	vmul.f32 $1.000000000e+02, v4;
	[tilespmem:s4+$0x10] =	vst v10  }
0x252: {  	v4 =	vld [tilespmem:s5+$0x0];
	[tilespmem:s4+$0xFFFFFFF0] =	vst v6;
	v6 =	vmul.f32 $1.000000000e+02, v5  }
0x253: {  	s7 =	simm.s32 $0x2F20;
	s6 =	simm.s32 $0x4;
	v5 =	vld [tilespmem:s5+$0xFFFFFFE0];
	v7 =	vsub.f32 v9, v7;
	[tilespmem:s4+$0x0] =	vst v8;
	v2 =	vadd.f32 v2, v2  }
.LBB2_15:
0x254: {  	v8 =	vld [tilespmem:s7+$0x10];
	s6 =	sadd.s32 $0x4, s6;
	v1 =	vadd.f32 v1, v1;
	[tilespmem:s4+$0xFFFFFFE0] =	vst v6;
	s4 =	smov.u32 s5  }
0x255: {  	s5 =	sadd.s32 $0x40, s5;
	v6 =	vld [tilespmem:s7+$0xFFFFFFE0];
	p0 =	slt.u32 s6, $0x24;
	v0 =	vadd.f32 v0, v0;
	v7 =	vmul.f32 $1.000000000e+02, v7  }
0x256: {  	v9 =	vld [tilespmem:s5+$0x10];
	v3 =	vsub.f32 v3, v1  }
.Ltmp7:
0x257: {  	v1 =	vld [tilespmem:s7+$0xFFFFFFF0];
	v4 =	vsub.f32 v4, v0;
	[tilespmem:s4+$0x10] =	vst v7;
	(pc) =	sbr.rel @p0 .LBB2_15-.Ltmp7, $4  }
0x258: {  	v0 =	vld [tilespmem:s7+$0x0];
	v5 =	vsub.f32 v5, v2;
	v7 =	vmul.f32 $1.000000000e+02, v3  }
0x259: {  	v3 =	vld [tilespmem:s5+$0xFFFFFFF0];
	v8 =	vadd.f32 v8, v8;
	v10 =	vmul.f32 $1.000000000e+02, v4  }
0x25a: {  	v2 =	vadd.f32 v6, v6;
	v4 =	vld [tilespmem:s5+$0x0];
	v6 =	vmul.f32 $1.000000000e+02, v5;
	[tilespmem:s4+$0xFFFFFFF0] =	vst v7  }
0x25b: {  	s7 =	sadd.s32 $0x40, s7;
	v5 =	vld [tilespmem:s5+$0xFFFFFFE0];
	v7 =	vsub.f32 v9, v8;
	[tilespmem:s4+$0x0] =	vst v10  }
0x25c: {  	v1 =	vadd.f32 v1, v1  }
0x25d: {  	v0 =	vadd.f32 v0, v0  }
0x25e: {  	v1 =	vsub.f32 v3, v1  }
0x25f: {  	v63 =	vmul.f32 $1.000000000e+02, v7;
	v0 =	vsub.f32 v4, v0  }
0x260: {  	[tilespmem:s4+$0xFFFFFFE0] =	vst v6;
	v2 =	vsub.f32 v5, v2;
	v1 =	vmul.f32 $1.000000000e+02, v1  }
0x261: {  	[tilespmem:s5+$0x10] =	vst v63;
	v0 =	vmul.f32 $1.000000000e+02, v0  }
0x262: {  	v2 =	vmul.f32 $1.000000000e+02, v2;
	[tilespmem:s5+$0xFFFFFFF0] =	vst v1  }
0x263: {  	p0 =	seq.s32 s0, $0xF;
	[tilespmem:s5+$0x0] =	vst v0  }
0x264: {  	s4 =	simm.s32 @p0 $0x0;
	[tilespmem:s5+$0xFFFFFFE0] =	vst v2;
	s5 =	simm.s32 @p0 $0xFB00  }
0x265: {  	[hbm4b:s3+s4] =	stream.linear.scatter @p0 [tilespmem:s5], [sflag:$0x4], $0x190, $0x38;
	[tilespmem:$0x12580] =	vst v63  }
0x266: {  	s3 =	simm.s32 @p0 $0x4  }
0x267: {  	_ =	swait.ge @p0 [sflag:s3], $0x190  }
0x268: {  	[sflag:s3] =	ssyncset.done @p0 $0x0  }
0x269: {  	s4 =	simm.s32 @!p0 $0xFB00;
	[sflag:s3] =	ssyncadd.s32 @p0 $0xFFFFFE70;
	s3 =	simm.s32 @!p0 $0x0  }
0x26a: {  	[hbm4b:s2+s3] =	stream.linear.scatter @!p0 [tilespmem:s4], [sflag:$0x4], $0x280, $0x38;
	[tilespmem:$0x12580] =	vst v63  }
0x26b: {  	s2 =	simm.s32 @!p0 $0x4  }
0x26c: {  	_ =	swait.ge @!p0 [sflag:s2], $0x280  }
0x26d: {  	[sflag:s2] =	ssyncset.done @!p0 $0x0  }
0x26e: {  	[sflag:s2] =	ssyncadd.s32 @!p0 $0xFFFFFD80  }
0x26f: {  	_ =	sfence.sel $0x180000  }
0x270: {  	[bflag:$0x0] =	sbarrier.arrive $0xFFFF  }
0x271: {  	p0 =	sne.s32 s0, $0x0;
	_ =	strace $0x90000047  }
0x272: {  	s0 =	sadd.s32 @!p0 $0x100000, s1;
	[bflag:$0x2] =	sbarrier.arrive $0xFFFF  }
0x273: {  	[sflag:s0] =	ssyncadd.tile.s32 @!p0 $0x1;
	_ =	shalt  }
.Lfunc_end2:
_tile_overlayer_lowered:
.L_overlay_start_2:
0x274: {  	(tag) =	ssettag $0x2  }
0x275: {  	s0 =	rddreg [dreg:$0x0];
	s2 =	stileid.u32  }
0x276: {  	s1 =	rddreg [dreg:$0x1];
	p0 =	sne.s32 s2, $0x0  }
0x277: {  	s3 =	rddreg [dreg:$0x2];
	[bflag:$0x3] =	sbarrier.arrive $0xFFFF;
	s2 =	simm.s32 @!p0 $0x1C04  }
0x278: {  	[timem:s3], [sflag:s2] =	dma.local @!p0 [hbm:s0], s1  }
0x279: {  	s0 =	simm.s32 @!p0 $0x4  }
0x27a: {  	_ =	swait.ge @!p0 [sflag:s0], s1  }
0x27b: {  	s1 =	ssub.s32 @!p0 $0x0, s1;
	[sflag:s0] =	ssyncset.done @!p0 $0x0  }
0x27c: {  	[sflag:s0] =	ssyncadd.s32 @!p0 s1  }
0x27d: {  	[bflag:$0x3] =	sbarrier.arrive $0xFFFF  }
0x27e: {  	_ =	shalt  }

</sc_bundles>
